<compile_context>
chip_gen: v7x
topology: tpu7x:2x2x1
jax: 0.10.2.dev20260603
libtpu: 0.0.44.dev20260713+nightly
codegen_flags: <defaults>
</compile_context>

<pallas_src>
import functools

import jax
import jax.numpy as jnp
from jax import lax
from jax.experimental import pallas as pl
from jax.experimental.pallas import tpu as pltpu
from jax.experimental.pallas import tpu_sc as plsc

D = 128
B = 4096
L = 50
N_TOK = B * L
TOPIC_ROWS = 100001

SEG = 2
L_SEG = L // SEG
TOK_SEG = L_SEG * B

NC = 2
NS = 16
NW = NC * NS
CHUNK = 128
CH_W = TOK_SEG // (NW * CHUNK)
assert CH_W * NW * CHUNK == TOK_SEG
CH_PAD = (CH_W + 7) // 8 * 8

NBUF = 4


def _sc_gather_body(table_hbm, idx_hbm, out_hbm, idx_v, rows_v, gsem, ssem):
    wid = lax.axis_index("s") * NC + lax.axis_index("c")
    row0 = wid * CH_W

    pltpu.sync_copy(idx_hbm.at[pl.ds(wid * CH_PAD, CH_PAD)], idx_v)

    def gather(j):
        return pltpu.async_copy(
            table_hbm.at[idx_v.at[j]], rows_v.at[j % NBUF], gsem)

    def gather_wait(j):
        pltpu.make_async_copy(
            table_hbm.at[idx_v.at[j]], rows_v.at[j % NBUF], gsem).wait()

    def store(j):
        return pltpu.async_copy(
            rows_v.at[j % NBUF], out_hbm.at[pl.ds((row0 + j) * CHUNK, CHUNK)],
            ssem)

    def store_wait(j):
        pltpu.make_async_copy(
            rows_v.at[j % NBUF], out_hbm.at[pl.ds((row0 + j) * CHUNK, CHUNK)],
            ssem).wait()

    for j in range(NBUF - 1):
        gather(j)

    def body(j, carry):
        gather_wait(j)
        store(j)

        @pl.when(j >= 1)
        def _():
            store_wait(j - 1)

        @pl.when(j + NBUF - 1 < CH_W)
        def _():
            gather(j + NBUF - 1)

        return carry

    lax.fori_loop(0, CH_W, body, 0)
    store_wait(CH_W - 1)


@functools.cache
def _sc_gather():
    mesh = plsc.VectorSubcoreMesh(core_axis_name="c", subcore_axis_name="s",
                                  num_cores=NC, num_subcores=NS)
    return pl.kernel(
        _sc_gather_body,
        out_type=jax.ShapeDtypeStruct((TOK_SEG, D), jnp.float32),
        mesh=mesh,
        scratch_types=[
            pltpu.VMEM((CH_PAD, CHUNK), jnp.int32),
            pltpu.VMEM((NBUF, CHUNK, D), jnp.float32),
            pltpu.SemaphoreType.DMA,
            pltpu.SemaphoreType.DMA,
        ],
    )

A_BLK = 512
TC_BLOCK = L_SEG * A_BLK


def _tc_body(x_ref, g_ref, wa_ref, ba_ref, wt_ref, bt_ref, scale_ref,
             out_ref, m_ref, uv_ref):
    @pl.when(pl.program_id(0) == 0)
    def _():
        wa = wa_ref[...]
        wt = wt_ref[...]
        m_ref[...] = lax.dot_general(
            wa, wt, (((0,), (0,)), ((), ())),
            preferred_element_type=jnp.float32)
        uv_ref[0:1, :] = lax.dot_general(
            bt_ref[...], wa, (((1,), (0,)), ((), ())),
            preferred_element_type=jnp.float32)
        uv_ref[1:2, :] = lax.dot_general(
            ba_ref[...], wt, (((1,), (0,)), ((), ())),
            preferred_element_type=jnp.float32)

    x = x_ref[...].reshape(TC_BLOCK, D)
    g = g_ref[...].reshape(TC_BLOCK, D)
    z = lax.dot_general(x, m_ref[...], (((1,), (0,)), ((), ())),
                        preferred_element_type=jnp.float32)
    q = (z + uv_ref[1:2, :]) * g + x * uv_ref[0:1, :]
    dots = jnp.sum(q.reshape(L_SEG, A_BLK, D), axis=2)
    c = jnp.sum(ba_ref[...] * bt_ref[...])
    out_ref[...] = (dots + c) * scale_ref[0, 0]


def _tc_call(seg, x3, g3, Wa, ba2, Wt, bt2, scale2):
    return pl.pallas_call(
        _tc_body,
        grid=(B // A_BLK,),
        in_specs=[
            pl.BlockSpec((L_SEG, A_BLK, D), lambda j: (seg, j, 0)),
            pl.BlockSpec((L_SEG, A_BLK, D), lambda j: (0, j, 0)),
            pl.BlockSpec((D, D), lambda j: (0, 0)),
            pl.BlockSpec((1, D), lambda j: (0, 0)),
            pl.BlockSpec((D, D), lambda j: (0, 0)),
            pl.BlockSpec((1, D), lambda j: (0, 0)),
            pl.BlockSpec(memory_space=pltpu.SMEM),
        ],
        out_specs=pl.BlockSpec((L_SEG, A_BLK), lambda j: (0, j)),
        out_shape=jax.ShapeDtypeStruct((L_SEG, B), jnp.float32),
        scratch_shapes=[
            pltpu.VMEM((D, D), jnp.float32),
            pltpu.VMEM((2, D), jnp.float32),
        ],
    )(x3, g3, Wa, ba2, Wt, bt2, scale2)


def kernel(actor_emb, topic_ids, Wa, ba, table, Wt, bt, scale):
    x3 = jnp.transpose(actor_emb, (1, 0, 2))
    ids_lm = jnp.transpose(topic_ids, (1, 0)).astype(jnp.int32)

    idx4d = ids_lm.reshape(SEG, NW, CH_W, CHUNK)
    idx_pad = jnp.pad(idx4d, ((0, 0), (0, 0), (0, CH_PAD - CH_W), (0, 0)))
    idx_pad = idx_pad.reshape(SEG, NW * CH_PAD, CHUNK)

    ba2 = ba.reshape(1, D)
    bt2 = bt.reshape(1, D)
    scale2 = scale.reshape(1, 1)

    outs = []
    for s in range(SEG):
        g3 = _sc_gather()(table, idx_pad[s]).reshape(L_SEG, B, D)
        outs.append(_tc_call(s, x3, g3, Wa, ba2, Wt, bt2, scale2))
    out2 = jnp.concatenate(outs, axis=0)
    return jnp.transpose(out2, (1, 0))

# --- scband reference (transcript-rebuilt; emitter-appended) ---
"""Pipeline reference for scband-influence-head-16423954940681 (READ-ONLY COPY).

The authoritative reference and input builder live on the scoring server;
editing this copy changes nothing except your own understanding.
"""

import jax, jax.numpy as jnp
import numpy as np

D = 128
TOPIC_DIM = 128
TOPIC_COUNT = 100000
B = 4096
L = 50


def setup_inputs(seed: int = 0) -> dict:
    key = jax.random.key(seed)
    ks = jax.random.split(key, 8)
    actor_emb = jax.random.normal(ks[0], (B, L, D), dtype=jnp.float32)
    topic_ids = jax.random.randint(ks[1], (B, L), 0, TOPIC_COUNT, dtype=jnp.int64)
    # actor_proj: Linear(d, d)
    Wa = jax.random.normal(ks[2], (D, D), dtype=jnp.float32) * (1.0 / np.sqrt(D))
    ba = jnp.zeros((D,), dtype=jnp.float32)
    # topic_table: Embedding(topic_count + 1, topic_dim), xavier_uniform
    lim = np.sqrt(6.0 / (TOPIC_COUNT + 1 + TOPIC_DIM))
    table = jax.random.uniform(ks[3], (TOPIC_COUNT + 1, TOPIC_DIM), dtype=jnp.float32, minval=-lim, maxval=lim)
    # topic_proj: Linear(topic_dim, d)
    Wt = jax.random.normal(ks[4], (D, TOPIC_DIM), dtype=jnp.float32) * (1.0 / np.sqrt(TOPIC_DIM))
    bt = jnp.zeros((D,), dtype=jnp.float32)
    scale = jnp.array(1.0, dtype=jnp.float32)
    return {
        'actor_emb': actor_emb,
        'topic_ids': topic_ids,
        'Wa': Wa,
        'ba': ba,
        'table': table,
        'Wt': Wt,
        'bt': bt,
        'scale': scale,
    }


def reference(actor_emb, topic_ids, Wa, ba, table, Wt, bt, scale):
    # a = self.actor_proj(actor_emb)
    a = jnp.einsum('bld,ed->ble', actor_emb, Wa) + ba
    # t = self.topic_proj(self.topic_table(topic_ids))  (topic_emb_optional is None)
    gathered = jnp.take(table, topic_ids, axis=0)  # [B, L, topic_dim]
    t = jnp.einsum('blt,dt->bld', gathered, Wt) + bt
    # (a * t).sum(-1) * self.scale
    return (a * t).sum(-1) * scale

if __name__ == "__main__":
    import jax
    _d = setup_inputs()
    print(jax.jit(kernel)(*tuple(_d.values())))

</pallas_src>

<mosaic_0001>
#map = affine_map<(d0, d1) -> (0, 0)>
module attributes {stable_mosaic.version = 14 : i64} {
  func.func @_sc_gather_body(%arg0: i32, %arg1: i32, %arg2: memref<100001x128xf32, #tpu.memory_space<hbm>>, %arg3: memref<1024x128xi32, #tpu.memory_space<hbm>>, %arg4: memref<102400x128xf32, #tpu.memory_space<hbm>>, %arg5: memref<32x128xi32, #tpu.memory_space<vmem>>, %arg6: memref<4x128x128xf32, #tpu.memory_space<vmem>>, %arg7: memref<!tpu.dma_semaphore, #tpu.memory_space<semaphore_mem>>, %arg8: memref<!tpu.dma_semaphore, #tpu.memory_space<semaphore_mem>>) attributes {dimension_semantics = [#tpu.dimension_semantics<core_parallel>, #tpu.dimension_semantics<subcore_parallel>], iteration_bounds = array<i64: 2, 16>, scalar_prefetch = 0 : i64, scratch_operands = 4 : i64, tpu.core_type = #tpu.core_type<sc_vector_subcore>, window_params = [{transform_indices = #map}, {transform_indices = #map}, {transform_indices = #map}]} {
    %mul3A = arith.constant 2 : i32
    %mul3A_0 = arith.muli %arg1, %mul3A : i32
    %add3A = arith.addi %mul3A_0, %arg0 : i32
    %mul3A_1 = arith.constant 25 : i32
    %mul3A_2 = arith.muli %add3A, %mul3A_1 : i32
    %mul3A_3 = arith.constant 32 : i32
    %mul3A_4 = arith.muli %add3A, %mul3A_3 : i32
    "tpu.region"() ({
      %run_scoped3A = tpu.sem_alloc : memref<!tpu.dma_semaphore, #tpu.memory_space<semaphore_mem>>
      %dma_start3A_61 = arith.constant 0 : i32
      %dma_start3A_62 = tpu.memref_slice %arg3[%mul3A_4, %dma_start3A_61] : memref<1024x128xi32, #tpu.memory_space<hbm>> -> memref<32x128xi32, #tpu.memory_space<hbm>>
      %dma_start3A_63 = arith.constant 0 : i32
      %dma_start3A_64 = tpu.memref_slice %arg3[%mul3A_4, %dma_start3A_63] : memref<1024x128xi32, #tpu.memory_space<hbm>> -> memref<32x128xi32, #tpu.memory_space<hbm>>
      tpu.enqueue_dma source(%dma_start3A_64 : memref<32x128xi32, #tpu.memory_space<hbm>>) target(%arg5 : memref<32x128xi32, #tpu.memory_space<vmem>>) target_semaphore(%run_scoped3A : memref<!tpu.dma_semaphore, #tpu.memory_space<semaphore_mem>>)
      %dma_wait3A_65 = arith.constant 0 : i32
      %dma_wait3A_66 = tpu.memref_slice %arg3[%mul3A_4, %dma_wait3A_65] : memref<1024x128xi32, #tpu.memory_space<hbm>> -> memref<32x128xi32, #tpu.memory_space<hbm>>
      %dma_wait3A_67 = arith.constant 0 : i32
      %dma_wait3A_68 = tpu.memref_slice %arg3[%mul3A_4, %dma_wait3A_67] : memref<1024x128xi32, #tpu.memory_space<hbm>> -> memref<32x128xi32, #tpu.memory_space<hbm>>
      tpu.wait_dma2 semaphore(%run_scoped3A : memref<!tpu.dma_semaphore, #tpu.memory_space<semaphore_mem>>) src(%dma_wait3A_68 : memref<32x128xi32, #tpu.memory_space<hbm>>) dst(%arg5 : memref<32x128xi32, #tpu.memory_space<vmem>>)
      tpu.yield
    }) : () -> ()
    %dma_start3A = arith.constant 0 : i32
    %dma_start3A_5 = arith.constant 0 : i32
    %dma_start3A_6 = arith.constant 0 : i32
    %dma_start3A_7 = arith.constant 0 : i32
    %dma_start3A_8 = tpu.memref_slice %arg6[%dma_start3A_5, %dma_start3A_6, %dma_start3A_7] : memref<4x128x128xf32, #tpu.memory_space<vmem>> -> memref<1x128x128xf32, #tpu.memory_space<vmem>>
    %dma_start3A_9 = tpu.memref_squeeze %dma_start3A_8 : memref<1x128x128xf32, #tpu.memory_space<vmem>> -> memref<128x128xf32, #tpu.memory_space<vmem>>
    %dma_start3A_10 = arith.constant 0 : i32
    %dma_start3A_11 = tpu.memref_slice %arg5[%dma_start3A, %dma_start3A_10] : memref<32x128xi32, #tpu.memory_space<vmem>> -> memref<1x128xi32, #tpu.memory_space<vmem>>
    %dma_start3A_12 = tpu.memref_squeeze %dma_start3A_11 : memref<1x128xi32, #tpu.memory_space<vmem>> -> memref<128xi32, #tpu.memory_space<vmem>>
    %dma_start3A_13 = arith.constant 0 : i32
    %dma_start3A_14 = arith.constant 0 : i32
    %dma_start3A_15 = tpu.memref_slice %arg2[%dma_start3A_13, %dma_start3A_14] : memref<100001x128xf32, #tpu.memory_space<hbm>> -> memref<100001x128xf32, #tpu.memory_space<hbm>>
    tpu.enqueue_indirect_dma source(%dma_start3A_15 : memref<100001x128xf32, #tpu.memory_space<hbm>>) target(%dma_start3A_9 : memref<128x128xf32, #tpu.memory_space<vmem>>) offsets(%dma_start3A_12 : memref<128xi32, #tpu.memory_space<vmem>>) semaphore(%arg7 : memref<!tpu.dma_semaphore, #tpu.memory_space<semaphore_mem>>)
    %dma_start3A_16 = arith.constant 1 : i32
    %dma_start3A_17 = arith.constant 1 : i32
    %dma_start3A_18 = arith.constant 0 : i32
    %dma_start3A_19 = arith.constant 0 : i32
    %dma_start3A_20 = tpu.memref_slice %arg6[%dma_start3A_17, %dma_start3A_18, %dma_start3A_19] : memref<4x128x128xf32, #tpu.memory_space<vmem>> -> memref<1x128x128xf32, #tpu.memory_space<vmem>>
    %dma_start3A_21 = tpu.memref_squeeze %dma_start3A_20 : memref<1x128x128xf32, #tpu.memory_space<vmem>> -> memref<128x128xf32, #tpu.memory_space<vmem>>
    %dma_start3A_22 = arith.constant 0 : i32
    %dma_start3A_23 = tpu.memref_slice %arg5[%dma_start3A_16, %dma_start3A_22] : memref<32x128xi32, #tpu.memory_space<vmem>> -> memref<1x128xi32, #tpu.memory_space<vmem>>
    %dma_start3A_24 = tpu.memref_squeeze %dma_start3A_23 : memref<1x128xi32, #tpu.memory_space<vmem>> -> memref<128xi32, #tpu.memory_space<vmem>>
    %dma_start3A_25 = arith.constant 0 : i32
    %dma_start3A_26 = arith.constant 0 : i32
    %dma_start3A_27 = tpu.memref_slice %arg2[%dma_start3A_25, %dma_start3A_26] : memref<100001x128xf32, #tpu.memory_space<hbm>> -> memref<100001x128xf32, #tpu.memory_space<hbm>>
    tpu.enqueue_indirect_dma source(%dma_start3A_27 : memref<100001x128xf32, #tpu.memory_space<hbm>>) target(%dma_start3A_21 : memref<128x128xf32, #tpu.memory_space<vmem>>) offsets(%dma_start3A_24 : memref<128xi32, #tpu.memory_space<vmem>>) semaphore(%arg7 : memref<!tpu.dma_semaphore, #tpu.memory_space<semaphore_mem>>)
    %dma_start3A_28 = arith.constant 2 : i32
    %dma_start3A_29 = arith.constant 2 : i32
    %dma_start3A_30 = arith.constant 0 : i32
    %dma_start3A_31 = arith.constant 0 : i32
    %dma_start3A_32 = tpu.memref_slice %arg6[%dma_start3A_29, %dma_start3A_30, %dma_start3A_31] : memref<4x128x128xf32, #tpu.memory_space<vmem>> -> memref<1x128x128xf32, #tpu.memory_space<vmem>>
    %dma_start3A_33 = tpu.memref_squeeze %dma_start3A_32 : memref<1x128x128xf32, #tpu.memory_space<vmem>> -> memref<128x128xf32, #tpu.memory_space<vmem>>
    %dma_start3A_34 = arith.constant 0 : i32
    %dma_start3A_35 = tpu.memref_slice %arg5[%dma_start3A_28, %dma_start3A_34] : memref<32x128xi32, #tpu.memory_space<vmem>> -> memref<1x128xi32, #tpu.memory_space<vmem>>
    %dma_start3A_36 = tpu.memref_squeeze %dma_start3A_35 : memref<1x128xi32, #tpu.memory_space<vmem>> -> memref<128xi32, #tpu.memory_space<vmem>>
    %dma_start3A_37 = arith.constant 0 : i32
    %dma_start3A_38 = arith.constant 0 : i32
    %dma_start3A_39 = tpu.memref_slice %arg2[%dma_start3A_37, %dma_start3A_38] : memref<100001x128xf32, #tpu.memory_space<hbm>> -> memref<100001x128xf32, #tpu.memory_space<hbm>>
    tpu.enqueue_indirect_dma source(%dma_start3A_39 : memref<100001x128xf32, #tpu.memory_space<hbm>>) target(%dma_start3A_33 : memref<128x128xf32, #tpu.memory_space<vmem>>) offsets(%dma_start3A_36 : memref<128xi32, #tpu.memory_space<vmem>>) semaphore(%arg7 : memref<!tpu.dma_semaphore, #tpu.memory_space<semaphore_mem>>)
    %scan3A = arith.constant 0 : i32
    %scan3A_40 = arith.constant 0 : i32
    %scan3A_41 = arith.constant 25 : i32
    %scan3A_42 = arith.addi %scan3A_40, %scan3A_41 : i32
    %scan3A_43 = arith.constant 1 : i32
    scf.for %scan3A_61 = %scan3A_40 to %scan3A_42 step %scan3A_43  : i32 {
      %jit3A = arith.constant 4 : i32
      %eq3A = arith.constant 0 : i32
      %eq3A_62 = arith.cmpi eq, %jit3A, %eq3A : i32
      %jit3A_63 = arith.constant 1 : i32
      %select_n3A = arith.select %eq3A_62, %jit3A_63, %jit3A : i32
      %rem3A = arith.remsi %scan3A_61, %select_n3A : i32
      %ne3A = arith.constant 0 : i32
      %ne3A_64 = arith.cmpi ne, %rem3A, %ne3A : i32
      %lt3A = arith.constant 0 : i32
      %lt3A_65 = arith.cmpi slt, %rem3A, %lt3A : i32
      %lt3A_66 = arith.constant 0 : i32
      %lt3A_67 = arith.cmpi slt, %select_n3A, %lt3A_66 : i32
      %ne3A_68 = arith.xori %lt3A_65, %lt3A_67 : i1
      %and3A = arith.andi %ne3A_68, %ne3A_64 : i1
      %add3A_69 = arith.addi %rem3A, %select_n3A : i32
      %select_n3A_70 = arith.select %and3A, %add3A_69, %rem3A : i32
      %dma_wait3A_71 = arith.constant 0 : i32
      %dma_wait3A_72 = arith.constant 0 : i32
      %dma_wait3A_73 = tpu.memref_slice %arg6[%select_n3A_70, %dma_wait3A_71, %dma_wait3A_72] : memref<4x128x128xf32, #tpu.memory_space<vmem>> -> memref<1x128x128xf32, #tpu.memory_space<vmem>>
      %dma_wait3A_74 = tpu.memref_squeeze %dma_wait3A_73 : memref<1x128x128xf32, #tpu.memory_space<vmem>> -> memref<128x128xf32, #tpu.memory_space<vmem>>
      %dma_wait3A_75 = arith.constant 0 : i32
      %dma_wait3A_76 = tpu.memref_slice %arg5[%scan3A_61, %dma_wait3A_75] : memref<32x128xi32, #tpu.memory_space<vmem>> -> memref<1x128xi32, #tpu.memory_space<vmem>>
      %dma_wait3A_77 = tpu.memref_squeeze %dma_wait3A_76 : memref<1x128xi32, #tpu.memory_space<vmem>> -> memref<128xi32, #tpu.memory_space<vmem>>
      %dma_wait3A_78 = arith.constant 0 : i32
      %dma_wait3A_79 = arith.constant 0 : i32
      %dma_wait3A_80 = tpu.memref_slice %arg2[%dma_wait3A_78, %dma_wait3A_79] : memref<100001x128xf32, #tpu.memory_space<hbm>> -> memref<100001x128xf32, #tpu.memory_space<hbm>>
      tpu.wait_indirect_dma semaphore(%arg7 : memref<!tpu.dma_semaphore, #tpu.memory_space<semaphore_mem>>) src(%dma_wait3A_80 : memref<100001x128xf32, #tpu.memory_space<hbm>>) dst(%dma_wait3A_74 : memref<128x128xf32, #tpu.memory_space<vmem>>)
      %jit3A_81 = arith.constant 4 : i32
      %eq3A_82 = arith.constant 0 : i32
      %eq3A_83 = arith.cmpi eq, %jit3A_81, %eq3A_82 : i32
      %jit3A_84 = arith.constant 1 : i32
      %select_n3A_85 = arith.select %eq3A_83, %jit3A_84, %jit3A_81 : i32
      %rem3A_86 = arith.remsi %scan3A_61, %select_n3A_85 : i32
      %ne3A_87 = arith.constant 0 : i32
      %ne3A_88 = arith.cmpi ne, %rem3A_86, %ne3A_87 : i32
      %lt3A_89 = arith.constant 0 : i32
      %lt3A_90 = arith.cmpi slt, %rem3A_86, %lt3A_89 : i32
      %lt3A_91 = arith.constant 0 : i32
      %lt3A_92 = arith.cmpi slt, %select_n3A_85, %lt3A_91 : i32
      %ne3A_93 = arith.xori %lt3A_90, %lt3A_92 : i1
      %and3A_94 = arith.andi %ne3A_93, %ne3A_88 : i1
      %add3A_95 = arith.addi %rem3A_86, %select_n3A_85 : i32
      %select_n3A_96 = arith.select %and3A_94, %add3A_95, %rem3A_86 : i32
      %add3A_97 = arith.addi %mul3A_2, %scan3A_61 : i32
      %mul3A_98 = arith.constant 128 : i32
      %mul3A_99 = arith.muli %add3A_97, %mul3A_98 : i32
      %dma_start3A_100 = arith.constant 0 : i32
      %dma_start3A_101 = arith.constant 0 : i32
      %dma_start3A_102 = tpu.memref_slice %arg6[%select_n3A_96, %dma_start3A_100, %dma_start3A_101] : memref<4x128x128xf32, #tpu.memory_space<vmem>> -> memref<1x128x128xf32, #tpu.memory_space<vmem>>
      %dma_start3A_103 = tpu.memref_squeeze %dma_start3A_102 : memref<1x128x128xf32, #tpu.memory_space<vmem>> -> memref<128x128xf32, #tpu.memory_space<vmem>>
      %dma_start3A_104 = arith.constant 0 : i32
      %dma_start3A_105 = tpu.memref_slice %arg4[%mul3A_99, %dma_start3A_104] : memref<102400x128xf32, #tpu.memory_space<hbm>> -> memref<128x128xf32, #tpu.memory_space<hbm>>
      %dma_start3A_106 = arith.constant 0 : i32
      %dma_start3A_107 = tpu.memref_slice %arg4[%mul3A_99, %dma_start3A_106] : memref<102400x128xf32, #tpu.memory_space<hbm>> -> memref<128x128xf32, #tpu.memory_space<hbm>>
      %dma_start3A_108 = arith.constant 0 : i32
      %dma_start3A_109 = arith.constant 0 : i32
      %dma_start3A_110 = tpu.memref_slice %arg6[%select_n3A_96, %dma_start3A_108, %dma_start3A_109] : memref<4x128x128xf32, #tpu.memory_space<vmem>> -> memref<1x128x128xf32, #tpu.memory_space<vmem>>
      %dma_start3A_111 = tpu.memref_squeeze %dma_start3A_110 : memref<1x128x128xf32, #tpu.memory_space<vmem>> -> memref<128x128xf32, #tpu.memory_space<vmem>>
      tpu.enqueue_dma source(%dma_start3A_111 : memref<128x128xf32, #tpu.memory_space<vmem>>) target(%dma_start3A_107 : memref<128x128xf32, #tpu.memory_space<hbm>>) target_semaphore(%arg8 : memref<!tpu.dma_semaphore, #tpu.memory_space<semaphore_mem>>)
      %ge3A = arith.constant 1 : i32
      %ge3A_112 = arith.cmpi sge, %scan3A_61, %ge3A : i32
      %convert_element_type3A = arith.extui %ge3A_112 : i1 to i32
      %cond3A = arith.constant 0 : i32
      %cond3A_113 = arith.cmpi ne, %convert_element_type3A, %cond3A : i32
      scf.if %cond3A_113 {
        %sub3A_122 = arith.constant 1 : i32
        %sub3A_123 = arith.subi %scan3A_61, %sub3A_122 : i32
        %jit3A_124 = arith.constant 4 : i32
        %eq3A_125 = arith.constant 0 : i32
        %eq3A_126 = arith.cmpi eq, %jit3A_124, %eq3A_125 : i32
        %jit3A_127 = arith.constant 1 : i32
        %select_n3A_128 = arith.select %eq3A_126, %jit3A_127, %jit3A_124 : i32
        %rem3A_129 = arith.remsi %sub3A_123, %select_n3A_128 : i32
        %ne3A_130 = arith.constant 0 : i32
        %ne3A_131 = arith.cmpi ne, %rem3A_129, %ne3A_130 : i32
        %lt3A_132 = arith.constant 0 : i32
        %lt3A_133 = arith.cmpi slt, %rem3A_129, %lt3A_132 : i32
        %lt3A_134 = arith.constant 0 : i32
        %lt3A_135 = arith.cmpi slt, %select_n3A_128, %lt3A_134 : i32
        %ne3A_136 = arith.xori %lt3A_133, %lt3A_135 : i1
        %and3A_137 = arith.andi %ne3A_136, %ne3A_131 : i1
        %add3A_138 = arith.addi %rem3A_129, %select_n3A_128 : i32
        %select_n3A_139 = arith.select %and3A_137, %add3A_138, %rem3A_129 : i32
        %add3A_140 = arith.addi %mul3A_2, %sub3A_123 : i32
        %mul3A_141 = arith.constant 128 : i32
        %mul3A_142 = arith.muli %add3A_140, %mul3A_141 : i32
        %dma_wait3A_143 = arith.constant 0 : i32
        %dma_wait3A_144 = arith.constant 0 : i32
        %dma_wait3A_145 = tpu.memref_slice %arg6[%select_n3A_139, %dma_wait3A_143, %dma_wait3A_144] : memref<4x128x128xf32, #tpu.memory_space<vmem>> -> memref<1x128x128xf32, #tpu.memory_space<vmem>>
        %dma_wait3A_146 = tpu.memref_squeeze %dma_wait3A_145 : memref<1x128x128xf32, #tpu.memory_space<vmem>> -> memref<128x128xf32, #tpu.memory_space<vmem>>
        %dma_wait3A_147 = arith.constant 0 : i32
        %dma_wait3A_148 = tpu.memref_slice %arg4[%mul3A_142, %dma_wait3A_147] : memref<102400x128xf32, #tpu.memory_space<hbm>> -> memref<128x128xf32, #tpu.memory_space<hbm>>
        %dma_wait3A_149 = arith.constant 0 : i32
        %dma_wait3A_150 = tpu.memref_slice %arg4[%mul3A_142, %dma_wait3A_149] : memref<102400x128xf32, #tpu.memory_space<hbm>> -> memref<128x128xf32, #tpu.memory_space<hbm>>
        %dma_wait3A_151 = arith.constant 0 : i32
        %dma_wait3A_152 = arith.constant 0 : i32
        %dma_wait3A_153 = tpu.memref_slice %arg6[%select_n3A_139, %dma_wait3A_151, %dma_wait3A_152] : memref<4x128x128xf32, #tpu.memory_space<vmem>> -> memref<1x128x128xf32, #tpu.memory_space<vmem>>
        %dma_wait3A_154 = tpu.memref_squeeze %dma_wait3A_153 : memref<1x128x128xf32, #tpu.memory_space<vmem>> -> memref<128x128xf32, #tpu.memory_space<vmem>>
        tpu.wait_dma2 semaphore(%arg8 : memref<!tpu.dma_semaphore, #tpu.memory_space<semaphore_mem>>) src(%dma_wait3A_154 : memref<128x128xf32, #tpu.memory_space<vmem>>) dst(%dma_wait3A_150 : memref<128x128xf32, #tpu.memory_space<hbm>>)
      } else {
      }
      %add3A_114 = arith.constant 4 : i32
      %add3A_115 = arith.addi %scan3A_61, %add3A_114 : i32
      %sub3A = arith.constant 1 : i32
      %sub3A_116 = arith.subi %add3A_115, %sub3A : i32
      %lt3A_117 = arith.constant 25 : i32
      %lt3A_118 = arith.cmpi slt, %sub3A_116, %lt3A_117 : i32
      %convert_element_type3A_119 = arith.extui %lt3A_118 : i1 to i32
      %cond3A_120 = arith.constant 0 : i32
      %cond3A_121 = arith.cmpi ne, %convert_element_type3A_119, %cond3A_120 : i32
      scf.if %cond3A_121 {
        %add3A_122 = arith.constant 4 : i32
        %add3A_123 = arith.addi %scan3A_61, %add3A_122 : i32
        %sub3A_124 = arith.constant 1 : i32
        %sub3A_125 = arith.subi %add3A_123, %sub3A_124 : i32
        %jit3A_126 = arith.constant 4 : i32
        %eq3A_127 = arith.constant 0 : i32
        %eq3A_128 = arith.cmpi eq, %jit3A_126, %eq3A_127 : i32
        %jit3A_129 = arith.constant 1 : i32
        %select_n3A_130 = arith.select %eq3A_128, %jit3A_129, %jit3A_126 : i32
        %rem3A_131 = arith.remsi %sub3A_125, %select_n3A_130 : i32
        %ne3A_132 = arith.constant 0 : i32
        %ne3A_133 = arith.cmpi ne, %rem3A_131, %ne3A_132 : i32
        %lt3A_134 = arith.constant 0 : i32
        %lt3A_135 = arith.cmpi slt, %rem3A_131, %lt3A_134 : i32
        %lt3A_136 = arith.constant 0 : i32
        %lt3A_137 = arith.cmpi slt, %select_n3A_130, %lt3A_136 : i32
        %ne3A_138 = arith.xori %lt3A_135, %lt3A_137 : i1
        %and3A_139 = arith.andi %ne3A_138, %ne3A_133 : i1
        %add3A_140 = arith.addi %rem3A_131, %select_n3A_130 : i32
        %select_n3A_141 = arith.select %and3A_139, %add3A_140, %rem3A_131 : i32
        %dma_start3A_142 = arith.constant 0 : i32
        %dma_start3A_143 = arith.constant 0 : i32
        %dma_start3A_144 = tpu.memref_slice %arg6[%select_n3A_141, %dma_start3A_142, %dma_start3A_143] : memref<4x128x128xf32, #tpu.memory_space<vmem>> -> memref<1x128x128xf32, #tpu.memory_space<vmem>>
        %dma_start3A_145 = tpu.memref_squeeze %dma_start3A_144 : memref<1x128x128xf32, #tpu.memory_space<vmem>> -> memref<128x128xf32, #tpu.memory_space<vmem>>
        %dma_start3A_146 = arith.constant 0 : i32
        %dma_start3A_147 = tpu.memref_slice %arg5[%sub3A_125, %dma_start3A_146] : memref<32x128xi32, #tpu.memory_space<vmem>> -> memref<1x128xi32, #tpu.memory_space<vmem>>
        %dma_start3A_148 = tpu.memref_squeeze %dma_start3A_147 : memref<1x128xi32, #tpu.memory_space<vmem>> -> memref<128xi32, #tpu.memory_space<vmem>>
        %dma_start3A_149 = arith.constant 0 : i32
        %dma_start3A_150 = arith.constant 0 : i32
        %dma_start3A_151 = tpu.memref_slice %arg2[%dma_start3A_149, %dma_start3A_150] : memref<100001x128xf32, #tpu.memory_space<hbm>> -> memref<100001x128xf32, #tpu.memory_space<hbm>>
        tpu.enqueue_indirect_dma source(%dma_start3A_151 : memref<100001x128xf32, #tpu.memory_space<hbm>>) target(%dma_start3A_145 : memref<128x128xf32, #tpu.memory_space<vmem>>) offsets(%dma_start3A_148 : memref<128xi32, #tpu.memory_space<vmem>>) semaphore(%arg7 : memref<!tpu.dma_semaphore, #tpu.memory_space<semaphore_mem>>)
      } else {
      }
    }
    %scan3A_44 = arith.constant 25 : i32
    %add3A_45 = arith.constant 24 : i32
    %add3A_46 = arith.addi %mul3A_2, %add3A_45 : i32
    %mul3A_47 = arith.constant 128 : i32
    %mul3A_48 = arith.muli %add3A_46, %mul3A_47 : i32
    %dma_wait3A = arith.constant 0 : i32
    %dma_wait3A_49 = arith.constant 0 : i32
    %dma_wait3A_50 = arith.constant 0 : i32
    %dma_wait3A_51 = tpu.memref_slice %arg6[%dma_wait3A, %dma_wait3A_49, %dma_wait3A_50] : memref<4x128x128xf32, #tpu.memory_space<vmem>> -> memref<1x128x128xf32, #tpu.memory_space<vmem>>
    %dma_wait3A_52 = tpu.memref_squeeze %dma_wait3A_51 : memref<1x128x128xf32, #tpu.memory_space<vmem>> -> memref<128x128xf32, #tpu.memory_space<vmem>>
    %dma_wait3A_53 = arith.constant 0 : i32
    %dma_wait3A_54 = tpu.memref_slice %arg4[%mul3A_48, %dma_wait3A_53] : memref<102400x128xf32, #tpu.memory_space<hbm>> -> memref<128x128xf32, #tpu.memory_space<hbm>>
    %dma_wait3A_55 = arith.constant 0 : i32
    %dma_wait3A_56 = tpu.memref_slice %arg4[%mul3A_48, %dma_wait3A_55] : memref<102400x128xf32, #tpu.memory_space<hbm>> -> memref<128x128xf32, #tpu.memory_space<hbm>>
    %dma_wait3A_57 = arith.constant 0 : i32
    %dma_wait3A_58 = arith.constant 0 : i32
    %dma_wait3A_59 = tpu.memref_slice %arg6[%dma_wait3A, %dma_wait3A_57, %dma_wait3A_58] : memref<4x128x128xf32, #tpu.memory_space<vmem>> -> memref<1x128x128xf32, #tpu.memory_space<vmem>>
    %dma_wait3A_60 = tpu.memref_squeeze %dma_wait3A_59 : memref<1x128x128xf32, #tpu.memory_space<vmem>> -> memref<128x128xf32, #tpu.memory_space<vmem>>
    tpu.wait_dma2 semaphore(%arg8 : memref<!tpu.dma_semaphore, #tpu.memory_space<semaphore_mem>>) src(%dma_wait3A_60 : memref<128x128xf32, #tpu.memory_space<vmem>>) dst(%dma_wait3A_56 : memref<128x128xf32, #tpu.memory_space<hbm>>)
    return
  }
}

#map = affine_map<(d0, d1) -> (0, 0)>
module attributes {stable_mosaic.version = 14 : i64} {
  func.func @_sc_gather_body(%arg0: i32, %arg1: i32, %arg2: memref<100001x128xf32, #tpu.memory_space<hbm>>, %arg3: memref<1024x128xi32, #tpu.memory_space<hbm>>, %arg4: memref<102400x128xf32, #tpu.memory_space<hbm>>, %arg5: memref<32x128xi32, #tpu.memory_space<vmem>>, %arg6: memref<4x128x128xf32, #tpu.memory_space<vmem>>, %arg7: memref<!tpu.dma_semaphore, #tpu.memory_space<semaphore_mem>>, %arg8: memref<!tpu.dma_semaphore, #tpu.memory_space<semaphore_mem>>) attributes {dimension_semantics = [#tpu.dimension_semantics<core_parallel>, #tpu.dimension_semantics<subcore_parallel>], iteration_bounds = array<i64: 2, 16>, scalar_prefetch = 0 : i64, scratch_operands = 4 : i64, tpu.core_type = #tpu.core_type<sc_vector_subcore>, window_params = [{transform_indices = #map}, {transform_indices = #map}, {transform_indices = #map}]} {
    %mul3A = arith.constant 2 : i32
    %mul3A_0 = arith.muli %arg1, %mul3A : i32
    %add3A = arith.addi %mul3A_0, %arg0 : i32
    %mul3A_1 = arith.constant 25 : i32
    %mul3A_2 = arith.muli %add3A, %mul3A_1 : i32
    %mul3A_3 = arith.constant 32 : i32
    %mul3A_4 = arith.muli %add3A, %mul3A_3 : i32
    "tpu.region"() ({
      %run_scoped3A = tpu.sem_alloc : memref<!tpu.dma_semaphore, #tpu.memory_space<semaphore_mem>>
      %dma_start3A_61 = arith.constant 0 : i32
      %dma_start3A_62 = tpu.memref_slice %arg3[%mul3A_4, %dma_start3A_61] : memref<1024x128xi32, #tpu.memory_space<hbm>> -> memref<32x128xi32, #tpu.memory_space<hbm>>
      %dma_start3A_63 = arith.constant 0 : i32
      %dma_start3A_64 = tpu.memref_slice %arg3[%mul3A_4, %dma_start3A_63] : memref<1024x128xi32, #tpu.memory_space<hbm>> -> memref<32x128xi32, #tpu.memory_space<hbm>>
      tpu.enqueue_dma source(%dma_start3A_64 : memref<32x128xi32, #tpu.memory_space<hbm>>) target(%arg5 : memref<32x128xi32, #tpu.memory_space<vmem>>) target_semaphore(%run_scoped3A : memref<!tpu.dma_semaphore, #tpu.memory_space<semaphore_mem>>)
      %dma_wait3A_65 = arith.constant 0 : i32
      %dma_wait3A_66 = tpu.memref_slice %arg3[%mul3A_4, %dma_wait3A_65] : memref<1024x128xi32, #tpu.memory_space<hbm>> -> memref<32x128xi32, #tpu.memory_space<hbm>>
      %dma_wait3A_67 = arith.constant 0 : i32
      %dma_wait3A_68 = tpu.memref_slice %arg3[%mul3A_4, %dma_wait3A_67] : memref<1024x128xi32, #tpu.memory_space<hbm>> -> memref<32x128xi32, #tpu.memory_space<hbm>>
      tpu.wait_dma2 semaphore(%run_scoped3A : memref<!tpu.dma_semaphore, #tpu.memory_space<semaphore_mem>>) src(%dma_wait3A_68 : memref<32x128xi32, #tpu.memory_space<hbm>>) dst(%arg5 : memref<32x128xi32, #tpu.memory_space<vmem>>)
      tpu.yield
    }) : () -> ()
    %dma_start3A = arith.constant 0 : i32
    %dma_start3A_5 = arith.constant 0 : i32
    %dma_start3A_6 = arith.constant 0 : i32
    %dma_start3A_7 = arith.constant 0 : i32
    %dma_start3A_8 = tpu.memref_slice %arg6[%dma_start3A_5, %dma_start3A_6, %dma_start3A_7] : memref<4x128x128xf32, #tpu.memory_space<vmem>> -> memref<1x128x128xf32, #tpu.memory_space<vmem>>
    %dma_start3A_9 = tpu.memref_squeeze %dma_start3A_8 : memref<1x128x128xf32, #tpu.memory_space<vmem>> -> memref<128x128xf32, #tpu.memory_space<vmem>>
    %dma_start3A_10 = arith.constant 0 : i32
    %dma_start3A_11 = tpu.memref_slice %arg5[%dma_start3A, %dma_start3A_10] : memref<32x128xi32, #tpu.memory_space<vmem>> -> memref<1x128xi32, #tpu.memory_space<vmem>>
    %dma_start3A_12 = tpu.memref_squeeze %dma_start3A_11 : memref<1x128xi32, #tpu.memory_space<vmem>> -> memref<128xi32, #tpu.memory_space<vmem>>
    %dma_start3A_13 = arith.constant 0 : i32
    %dma_start3A_14 = arith.constant 0 : i32
    %dma_start3A_15 = tpu.memref_slice %arg2[%dma_start3A_13, %dma_start3A_14] : memref<100001x128xf32, #tpu.memory_space<hbm>> -> memref<100001x128xf32, #tpu.memory_space<hbm>>
    tpu.enqueue_indirect_dma source(%dma_start3A_15 : memref<100001x128xf32, #tpu.memory_space<hbm>>) target(%dma_start3A_9 : memref<128x128xf32, #tpu.memory_space<vmem>>) offsets(%dma_start3A_12 : memref<128xi32, #tpu.memory_space<vmem>>) semaphore(%arg7 : memref<!tpu.dma_semaphore, #tpu.memory_space<semaphore_mem>>)
    %dma_start3A_16 = arith.constant 1 : i32
    %dma_start3A_17 = arith.constant 1 : i32
    %dma_start3A_18 = arith.constant 0 : i32
    %dma_start3A_19 = arith.constant 0 : i32
    %dma_start3A_20 = tpu.memref_slice %arg6[%dma_start3A_17, %dma_start3A_18, %dma_start3A_19] : memref<4x128x128xf32, #tpu.memory_space<vmem>> -> memref<1x128x128xf32, #tpu.memory_space<vmem>>
    %dma_start3A_21 = tpu.memref_squeeze %dma_start3A_20 : memref<1x128x128xf32, #tpu.memory_space<vmem>> -> memref<128x128xf32, #tpu.memory_space<vmem>>
    %dma_start3A_22 = arith.constant 0 : i32
    %dma_start3A_23 = tpu.memref_slice %arg5[%dma_start3A_16, %dma_start3A_22] : memref<32x128xi32, #tpu.memory_space<vmem>> -> memref<1x128xi32, #tpu.memory_space<vmem>>
    %dma_start3A_24 = tpu.memref_squeeze %dma_start3A_23 : memref<1x128xi32, #tpu.memory_space<vmem>> -> memref<128xi32, #tpu.memory_space<vmem>>
    %dma_start3A_25 = arith.constant 0 : i32
    %dma_start3A_26 = arith.constant 0 : i32
    %dma_start3A_27 = tpu.memref_slice %arg2[%dma_start3A_25, %dma_start3A_26] : memref<100001x128xf32, #tpu.memory_space<hbm>> -> memref<100001x128xf32, #tpu.memory_space<hbm>>
    tpu.enqueue_indirect_dma source(%dma_start3A_27 : memref<100001x128xf32, #tpu.memory_space<hbm>>) target(%dma_start3A_21 : memref<128x128xf32, #tpu.memory_space<vmem>>) offsets(%dma_start3A_24 : memref<128xi32, #tpu.memory_space<vmem>>) semaphore(%arg7 : memref<!tpu.dma_semaphore, #tpu.memory_space<semaphore_mem>>)
    %dma_start3A_28 = arith.constant 2 : i32
    %dma_start3A_29 = arith.constant 2 : i32
    %dma_start3A_30 = arith.constant 0 : i32
    %dma_start3A_31 = arith.constant 0 : i32
    %dma_start3A_32 = tpu.memref_slice %arg6[%dma_start3A_29, %dma_start3A_30, %dma_start3A_31] : memref<4x128x128xf32, #tpu.memory_space<vmem>> -> memref<1x128x128xf32, #tpu.memory_space<vmem>>
    %dma_start3A_33 = tpu.memref_squeeze %dma_start3A_32 : memref<1x128x128xf32, #tpu.memory_space<vmem>> -> memref<128x128xf32, #tpu.memory_space<vmem>>
    %dma_start3A_34 = arith.constant 0 : i32
    %dma_start3A_35 = tpu.memref_slice %arg5[%dma_start3A_28, %dma_start3A_34] : memref<32x128xi32, #tpu.memory_space<vmem>> -> memref<1x128xi32, #tpu.memory_space<vmem>>
    %dma_start3A_36 = tpu.memref_squeeze %dma_start3A_35 : memref<1x128xi32, #tpu.memory_space<vmem>> -> memref<128xi32, #tpu.memory_space<vmem>>
    %dma_start3A_37 = arith.constant 0 : i32
    %dma_start3A_38 = arith.constant 0 : i32
    %dma_start3A_39 = tpu.memref_slice %arg2[%dma_start3A_37, %dma_start3A_38] : memref<100001x128xf32, #tpu.memory_space<hbm>> -> memref<100001x128xf32, #tpu.memory_space<hbm>>
    tpu.enqueue_indirect_dma source(%dma_start3A_39 : memref<100001x128xf32, #tpu.memory_space<hbm>>) target(%dma_start3A_33 : memref<128x128xf32, #tpu.memory_space<vmem>>) offsets(%dma_start3A_36 : memref<128xi32, #tpu.memory_space<vmem>>) semaphore(%arg7 : memref<!tpu.dma_semaphore, #tpu.memory_space<semaphore_mem>>)
    %scan3A = arith.constant 0 : i32
    %scan3A_40 = arith.constant 0 : i32
    %scan3A_41 = arith.constant 25 : i32
    %scan3A_42 = arith.addi %scan3A_40, %scan3A_41 : i32
    %scan3A_43 = arith.constant 1 : i32
    scf.for %scan3A_61 = %scan3A_40 to %scan3A_42 step %scan3A_43  : i32 {
      %jit3A = arith.constant 4 : i32
      %eq3A = arith.constant 0 : i32
      %eq3A_62 = arith.cmpi eq, %jit3A, %eq3A : i32
      %jit3A_63 = arith.constant 1 : i32
      %select_n3A = arith.select %eq3A_62, %jit3A_63, %jit3A : i32
      %rem3A = arith.remsi %scan3A_61, %select_n3A : i32
      %ne3A = arith.constant 0 : i32
      %ne3A_64 = arith.cmpi ne, %rem3A, %ne3A : i32
      %lt3A = arith.constant 0 : i32
      %lt3A_65 = arith.cmpi slt, %rem3A, %lt3A : i32
      %lt3A_66 = arith.constant 0 : i32
      %lt3A_67 = arith.cmpi slt, %select_n3A, %lt3A_66 : i32
      %ne3A_68 = arith.xori %lt3A_65, %lt3A_67 : i1
      %and3A = arith.andi %ne3A_68, %ne3A_64 : i1
      %add3A_69 = arith.addi %rem3A, %select_n3A : i32
      %select_n3A_70 = arith.select %and3A, %add3A_69, %rem3A : i32
      %dma_wait3A_71 = arith.constant 0 : i32
      %dma_wait3A_72 = arith.constant 0 : i32
      %dma_wait3A_73 = tpu.memref_slice %arg6[%select_n3A_70, %dma_wait3A_71, %dma_wait3A_72] : memref<4x128x128xf32, #tpu.memory_space<vmem>> -> memref<1x128x128xf32, #tpu.memory_space<vmem>>
      %dma_wait3A_74 = tpu.memref_squeeze %dma_wait3A_73 : memref<1x128x128xf32, #tpu.memory_space<vmem>> -> memref<128x128xf32, #tpu.memory_space<vmem>>
      %dma_wait3A_75 = arith.constant 0 : i32
      %dma_wait3A_76 = tpu.memref_slice %arg5[%scan3A_61, %dma_wait3A_75] : memref<32x128xi32, #tpu.memory_space<vmem>> -> memref<1x128xi32, #tpu.memory_space<vmem>>
      %dma_wait3A_77 = tpu.memref_squeeze %dma_wait3A_76 : memref<1x128xi32, #tpu.memory_space<vmem>> -> memref<128xi32, #tpu.memory_space<vmem>>
      %dma_wait3A_78 = arith.constant 0 : i32
      %dma_wait3A_79 = arith.constant 0 : i32
      %dma_wait3A_80 = tpu.memref_slice %arg2[%dma_wait3A_78, %dma_wait3A_79] : memref<100001x128xf32, #tpu.memory_space<hbm>> -> memref<100001x128xf32, #tpu.memory_space<hbm>>
      tpu.wait_indirect_dma semaphore(%arg7 : memref<!tpu.dma_semaphore, #tpu.memory_space<semaphore_mem>>) src(%dma_wait3A_80 : memref<100001x128xf32, #tpu.memory_space<hbm>>) dst(%dma_wait3A_74 : memref<128x128xf32, #tpu.memory_space<vmem>>)
      %jit3A_81 = arith.constant 4 : i32
      %eq3A_82 = arith.constant 0 : i32
      %eq3A_83 = arith.cmpi eq, %jit3A_81, %eq3A_82 : i32
      %jit3A_84 = arith.constant 1 : i32
      %select_n3A_85 = arith.select %eq3A_83, %jit3A_84, %jit3A_81 : i32
      %rem3A_86 = arith.remsi %scan3A_61, %select_n3A_85 : i32
      %ne3A_87 = arith.constant 0 : i32
      %ne3A_88 = arith.cmpi ne, %rem3A_86, %ne3A_87 : i32
      %lt3A_89 = arith.constant 0 : i32
      %lt3A_90 = arith.cmpi slt, %rem3A_86, %lt3A_89 : i32
      %lt3A_91 = arith.constant 0 : i32
      %lt3A_92 = arith.cmpi slt, %select_n3A_85, %lt3A_91 : i32
      %ne3A_93 = arith.xori %lt3A_90, %lt3A_92 : i1
      %and3A_94 = arith.andi %ne3A_93, %ne3A_88 : i1
      %add3A_95 = arith.addi %rem3A_86, %select_n3A_85 : i32
      %select_n3A_96 = arith.select %and3A_94, %add3A_95, %rem3A_86 : i32
      %add3A_97 = arith.addi %mul3A_2, %scan3A_61 : i32
      %mul3A_98 = arith.constant 128 : i32
      %mul3A_99 = arith.muli %add3A_97, %mul3A_98 : i32
      %dma_start3A_100 = arith.constant 0 : i32
      %dma_start3A_101 = arith.constant 0 : i32
      %dma_start3A_102 = tpu.memref_slice %arg6[%select_n3A_96, %dma_start3A_100, %dma_start3A_101] : memref<4x128x128xf32, #tpu.memory_space<vmem>> -> memref<1x128x128xf32, #tpu.memory_space<vmem>>
      %dma_start3A_103 = tpu.memref_squeeze %dma_start3A_102 : memref<1x128x128xf32, #tpu.memory_space<vmem>> -> memref<128x128xf32, #tpu.memory_space<vmem>>
      %dma_start3A_104 = arith.constant 0 : i32
      %dma_start3A_105 = tpu.memref_slice %arg4[%mul3A_99, %dma_start3A_104] : memref<102400x128xf32, #tpu.memory_space<hbm>> -> memref<128x128xf32, #tpu.memory_space<hbm>>
      %dma_start3A_106 = arith.constant 0 : i32
      %dma_start3A_107 = tpu.memref_slice %arg4[%mul3A_99, %dma_start3A_106] : memref<102400x128xf32, #tpu.memory_space<hbm>> -> memref<128x128xf32, #tpu.memory_space<hbm>>
      %dma_start3A_108 = arith.constant 0 : i32
      %dma_start3A_109 = arith.constant 0 : i32
      %dma_start3A_110 = tpu.memref_slice %arg6[%select_n3A_96, %dma_start3A_108, %dma_start3A_109] : memref<4x128x128xf32, #tpu.memory_space<vmem>> -> memref<1x128x128xf32, #tpu.memory_space<vmem>>
      %dma_start3A_111 = tpu.memref_squeeze %dma_start3A_110 : memref<1x128x128xf32, #tpu.memory_space<vmem>> -> memref<128x128xf32, #tpu.memory_space<vmem>>
      tpu.enqueue_dma source(%dma_start3A_111 : memref<128x128xf32, #tpu.memory_space<vmem>>) target(%dma_start3A_107 : memref<128x128xf32, #tpu.memory_space<hbm>>) target_semaphore(%arg8 : memref<!tpu.dma_semaphore, #tpu.memory_space<semaphore_mem>>)
      %ge3A = arith.constant 1 : i32
      %ge3A_112 = arith.cmpi sge, %scan3A_61, %ge3A : i32
      %convert_element_type3A = arith.extui %ge3A_112 : i1 to i32
      %cond3A = arith.constant 0 : i32
      %cond3A_113 = arith.cmpi ne, %convert_element_type3A, %cond3A : i32
      scf.if %cond3A_113 {
        %sub3A_122 = arith.constant 1 : i32
        %sub3A_123 = arith.subi %scan3A_61, %sub3A_122 : i32
        %jit3A_124 = arith.constant 4 : i32
        %eq3A_125 = arith.constant 0 : i32
        %eq3A_126 = arith.cmpi eq, %jit3A_124, %eq3A_125 : i32
        %jit3A_127 = arith.constant 1 : i32
        %select_n3A_128 = arith.select %eq3A_126, %jit3A_127, %jit3A_124 : i32
        %rem3A_129 = arith.remsi %sub3A_123, %select_n3A_128 : i32
        %ne3A_130 = arith.constant 0 : i32
        %ne3A_131 = arith.cmpi ne, %rem3A_129, %ne3A_130 : i32
        %lt3A_132 = arith.constant 0 : i32
        %lt3A_133 = arith.cmpi slt, %rem3A_129, %lt3A_132 : i32
        %lt3A_134 = arith.constant 0 : i32
        %lt3A_135 = arith.cmpi slt, %select_n3A_128, %lt3A_134 : i32
        %ne3A_136 = arith.xori %lt3A_133, %lt3A_135 : i1
        %and3A_137 = arith.andi %ne3A_136, %ne3A_131 : i1
        %add3A_138 = arith.addi %rem3A_129, %select_n3A_128 : i32
        %select_n3A_139 = arith.select %and3A_137, %add3A_138, %rem3A_129 : i32
        %add3A_140 = arith.addi %mul3A_2, %sub3A_123 : i32
        %mul3A_141 = arith.constant 128 : i32
        %mul3A_142 = arith.muli %add3A_140, %mul3A_141 : i32
        %dma_wait3A_143 = arith.constant 0 : i32
        %dma_wait3A_144 = arith.constant 0 : i32
        %dma_wait3A_145 = tpu.memref_slice %arg6[%select_n3A_139, %dma_wait3A_143, %dma_wait3A_144] : memref<4x128x128xf32, #tpu.memory_space<vmem>> -> memref<1x128x128xf32, #tpu.memory_space<vmem>>
        %dma_wait3A_146 = tpu.memref_squeeze %dma_wait3A_145 : memref<1x128x128xf32, #tpu.memory_space<vmem>> -> memref<128x128xf32, #tpu.memory_space<vmem>>
        %dma_wait3A_147 = arith.constant 0 : i32
        %dma_wait3A_148 = tpu.memref_slice %arg4[%mul3A_142, %dma_wait3A_147] : memref<102400x128xf32, #tpu.memory_space<hbm>> -> memref<128x128xf32, #tpu.memory_space<hbm>>
        %dma_wait3A_149 = arith.constant 0 : i32
        %dma_wait3A_150 = tpu.memref_slice %arg4[%mul3A_142, %dma_wait3A_149] : memref<102400x128xf32, #tpu.memory_space<hbm>> -> memref<128x128xf32, #tpu.memory_space<hbm>>
        %dma_wait3A_151 = arith.constant 0 : i32
        %dma_wait3A_152 = arith.constant 0 : i32
        %dma_wait3A_153 = tpu.memref_slice %arg6[%select_n3A_139, %dma_wait3A_151, %dma_wait3A_152] : memref<4x128x128xf32, #tpu.memory_space<vmem>> -> memref<1x128x128xf32, #tpu.memory_space<vmem>>
        %dma_wait3A_154 = tpu.memref_squeeze %dma_wait3A_153 : memref<1x128x128xf32, #tpu.memory_space<vmem>> -> memref<128x128xf32, #tpu.memory_space<vmem>>
        tpu.wait_dma2 semaphore(%arg8 : memref<!tpu.dma_semaphore, #tpu.memory_space<semaphore_mem>>) src(%dma_wait3A_154 : memref<128x128xf32, #tpu.memory_space<vmem>>) dst(%dma_wait3A_150 : memref<128x128xf32, #tpu.memory_space<hbm>>)
      } else {
      }
      %add3A_114 = arith.constant 4 : i32
      %add3A_115 = arith.addi %scan3A_61, %add3A_114 : i32
      %sub3A = arith.constant 1 : i32
      %sub3A_116 = arith.subi %add3A_115, %sub3A : i32
      %lt3A_117 = arith.constant 25 : i32
      %lt3A_118 = arith.cmpi slt, %sub3A_116, %lt3A_117 : i32
      %convert_element_type3A_119 = arith.extui %lt3A_118 : i1 to i32
      %cond3A_120 = arith.constant 0 : i32
      %cond3A_121 = arith.cmpi ne, %convert_element_type3A_119, %cond3A_120 : i32
      scf.if %cond3A_121 {
        %add3A_122 = arith.constant 4 : i32
        %add3A_123 = arith.addi %scan3A_61, %add3A_122 : i32
        %sub3A_124 = arith.constant 1 : i32
        %sub3A_125 = arith.subi %add3A_123, %sub3A_124 : i32
        %jit3A_126 = arith.constant 4 : i32
        %eq3A_127 = arith.constant 0 : i32
        %eq3A_128 = arith.cmpi eq, %jit3A_126, %eq3A_127 : i32
        %jit3A_129 = arith.constant 1 : i32
        %select_n3A_130 = arith.select %eq3A_128, %jit3A_129, %jit3A_126 : i32
        %rem3A_131 = arith.remsi %sub3A_125, %select_n3A_130 : i32
        %ne3A_132 = arith.constant 0 : i32
        %ne3A_133 = arith.cmpi ne, %rem3A_131, %ne3A_132 : i32
        %lt3A_134 = arith.constant 0 : i32
        %lt3A_135 = arith.cmpi slt, %rem3A_131, %lt3A_134 : i32
        %lt3A_136 = arith.constant 0 : i32
        %lt3A_137 = arith.cmpi slt, %select_n3A_130, %lt3A_136 : i32
        %ne3A_138 = arith.xori %lt3A_135, %lt3A_137 : i1
        %and3A_139 = arith.andi %ne3A_138, %ne3A_133 : i1
        %add3A_140 = arith.addi %rem3A_131, %select_n3A_130 : i32
        %select_n3A_141 = arith.select %and3A_139, %add3A_140, %rem3A_131 : i32
        %dma_start3A_142 = arith.constant 0 : i32
        %dma_start3A_143 = arith.constant 0 : i32
        %dma_start3A_144 = tpu.memref_slice %arg6[%select_n3A_141, %dma_start3A_142, %dma_start3A_143] : memref<4x128x128xf32, #tpu.memory_space<vmem>> -> memref<1x128x128xf32, #tpu.memory_space<vmem>>
        %dma_start3A_145 = tpu.memref_squeeze %dma_start3A_144 : memref<1x128x128xf32, #tpu.memory_space<vmem>> -> memref<128x128xf32, #tpu.memory_space<vmem>>
        %dma_start3A_146 = arith.constant 0 : i32
        %dma_start3A_147 = tpu.memref_slice %arg5[%sub3A_125, %dma_start3A_146] : memref<32x128xi32, #tpu.memory_space<vmem>> -> memref<1x128xi32, #tpu.memory_space<vmem>>
        %dma_start3A_148 = tpu.memref_squeeze %dma_start3A_147 : memref<1x128xi32, #tpu.memory_space<vmem>> -> memref<128xi32, #tpu.memory_space<vmem>>
        %dma_start3A_149 = arith.constant 0 : i32
        %dma_start3A_150 = arith.constant 0 : i32
        %dma_start3A_151 = tpu.memref_slice %arg2[%dma_start3A_149, %dma_start3A_150] : memref<100001x128xf32, #tpu.memory_space<hbm>> -> memref<100001x128xf32, #tpu.memory_space<hbm>>
        tpu.enqueue_indirect_dma source(%dma_start3A_151 : memref<100001x128xf32, #tpu.memory_space<hbm>>) target(%dma_start3A_145 : memref<128x128xf32, #tpu.memory_space<vmem>>) offsets(%dma_start3A_148 : memref<128xi32, #tpu.memory_space<vmem>>) semaphore(%arg7 : memref<!tpu.dma_semaphore, #tpu.memory_space<semaphore_mem>>)
      } else {
      }
    }
    %scan3A_44 = arith.constant 25 : i32
    %add3A_45 = arith.constant 24 : i32
    %add3A_46 = arith.addi %mul3A_2, %add3A_45 : i32
    %mul3A_47 = arith.constant 128 : i32
    %mul3A_48 = arith.muli %add3A_46, %mul3A_47 : i32
    %dma_wait3A = arith.constant 0 : i32
    %dma_wait3A_49 = arith.constant 0 : i32
    %dma_wait3A_50 = arith.constant 0 : i32
    %dma_wait3A_51 = tpu.memref_slice %arg6[%dma_wait3A, %dma_wait3A_49, %dma_wait3A_50] : memref<4x128x128xf32, #tpu.memory_space<vmem>> -> memref<1x128x128xf32, #tpu.memory_space<vmem>>
    %dma_wait3A_52 = tpu.memref_squeeze %dma_wait3A_51 : memref<1x128x128xf32, #tpu.memory_space<vmem>> -> memref<128x128xf32, #tpu.memory_space<vmem>>
    %dma_wait3A_53 = arith.constant 0 : i32
    %dma_wait3A_54 = tpu.memref_slice %arg4[%mul3A_48, %dma_wait3A_53] : memref<102400x128xf32, #tpu.memory_space<hbm>> -> memref<128x128xf32, #tpu.memory_space<hbm>>
    %dma_wait3A_55 = arith.constant 0 : i32
    %dma_wait3A_56 = tpu.memref_slice %arg4[%mul3A_48, %dma_wait3A_55] : memref<102400x128xf32, #tpu.memory_space<hbm>> -> memref<128x128xf32, #tpu.memory_space<hbm>>
    %dma_wait3A_57 = arith.constant 0 : i32
    %dma_wait3A_58 = arith.constant 0 : i32
    %dma_wait3A_59 = tpu.memref_slice %arg6[%dma_wait3A, %dma_wait3A_57, %dma_wait3A_58] : memref<4x128x128xf32, #tpu.memory_space<vmem>> -> memref<1x128x128xf32, #tpu.memory_space<vmem>>
    %dma_wait3A_60 = tpu.memref_squeeze %dma_wait3A_59 : memref<1x128x128xf32, #tpu.memory_space<vmem>> -> memref<128x128xf32, #tpu.memory_space<vmem>>
    tpu.wait_dma2 semaphore(%arg8 : memref<!tpu.dma_semaphore, #tpu.memory_space<semaphore_mem>>) src(%dma_wait3A_60 : memref<128x128xf32, #tpu.memory_space<vmem>>) dst(%dma_wait3A_56 : memref<128x128xf32, #tpu.memory_space<hbm>>)
    return
  }
}

module attributes {stable_mosaic.version = 14 : i64} {
  func.func @_tc_body(%arg0: i32, %arg1: memref<25x512x128xf32, #tpu.memory_space<vmem>>, %arg2: memref<25x512x128xf32, #tpu.memory_space<vmem>>, %arg3: memref<128x128xf32, #tpu.memory_space<vmem>>, %arg4: memref<1x128xf32, #tpu.memory_space<vmem>>, %arg5: memref<128x128xf32, #tpu.memory_space<vmem>>, %arg6: memref<1x128xf32, #tpu.memory_space<vmem>>, %arg7: memref<1x1xf32, #tpu.memory_space<smem>>, %arg8: memref<25x512xf32, #tpu.memory_space<vmem>>, %arg9: memref<128x128xf32, #tpu.memory_space<vmem>>, %arg10: memref<2x128xf32, #tpu.memory_space<vmem>>) attributes {dimension_semantics = [#tpu.dimension_semantics<arbitrary>], iteration_bounds = array<i64: 8>, scalar_prefetch = 0 : i64, scratch_operands = 2 : i64, tpu.core_type = #tpu.core_type<tc>, window_params = [{transform_indices = @transform_0, window_bounds = array<i64: 25, 512, 128>}, {transform_indices = @transform_1, window_bounds = array<i64: 25, 512, 128>}, {pipeline_mode = #tpu.pipeline_mode<synchronous>, transform_indices = @transform_2, window_bounds = array<i64: 128, 128>}, {pipeline_mode = #tpu.pipeline_mode<synchronous>, transform_indices = @transform_3, window_bounds = array<i64: 1, 128>}, {pipeline_mode = #tpu.pipeline_mode<synchronous>, transform_indices = @transform_4, window_bounds = array<i64: 128, 128>}, {pipeline_mode = #tpu.pipeline_mode<synchronous>, transform_indices = @transform_5, window_bounds = array<i64: 1, 128>}, {transform_indices = @transform_6, window_bounds = array<i64: 1, 1>}, {transform_indices = @transform_7, window_bounds = array<i64: 25, 512>}]} {
    %eq3A = arith.constant 0 : i32
    %eq3A_0 = arith.cmpi eq, %arg0, %eq3A : i32
    %convert_element_type3A = arith.extui %eq3A_0 : i1 to i32
    %cond3A = arith.constant 0 : i32
    %cond3A_1 = arith.cmpi ne, %convert_element_type3A, %cond3A : i32
    scf.if %cond3A_1 {
      %get3A_47 = arith.constant 0 : index
      %get3A_48 = arith.constant 0 : index
      %get3A_49 = vector.load %arg3[%get3A_47, %get3A_48] : memref<128x128xf32, #tpu.memory_space<vmem>>, vector<128x128xf32>
      %get3A_50 = arith.constant 0 : index
      %get3A_51 = arith.constant 0 : index
      %get3A_52 = vector.load %arg5[%get3A_50, %get3A_51] : memref<128x128xf32, #tpu.memory_space<vmem>>, vector<128x128xf32>
      %dot_general3A_53 = arith.constant dense<0.000000e+00> : vector<128x128xf32>
      %dot_general3A_54 = tpu.matmul %get3A_49, %get3A_52, %dot_general3A_53 {dimension_numbers = #tpu.dot_dimension_numbers<[0], [0], [1], [1], [0, 1, 1, 1], [], []>, transpose_lhs_hint = false} : vector<128x128xf32>, vector<128x128xf32>, vector<128x128xf32> -> vector<128x128xf32>
      %swap3A_55 = arith.constant 0 : index
      %swap3A_56 = arith.constant 0 : index
      %swap3A_57 = vector.load %arg9[%swap3A_55, %swap3A_56] : memref<128x128xf32, #tpu.memory_space<vmem>>, vector<128x128xf32>
      tpu.vector_store %arg9[%swap3A_55, %swap3A_56], %dot_general3A_54 {strides = array<i32>} : memref<128x128xf32, #tpu.memory_space<vmem>>, vector<128x128xf32>,
      %get3A_58 = arith.constant 0 : index
      %get3A_59 = arith.constant 0 : index
      %get3A_60 = vector.load %arg6[%get3A_58, %get3A_59] : memref<1x128xf32, #tpu.memory_space<vmem>>, vector<1x128xf32>
      %dot_general3A_61 = arith.constant dense<0.000000e+00> : vector<1x128xf32>
      %dot_general3A_62 = tpu.matmul %get3A_60, %get3A_49, %dot_general3A_61 {dimension_numbers = #tpu.dot_dimension_numbers<[1], [0], [0], [1], [0, 0, 1, 1], [], []>, transpose_lhs_hint = false} : vector<1x128xf32>, vector<128x128xf32>, vector<1x128xf32> -> vector<1x128xf32>
      %swap3A_63 = arith.constant 0 : index
      %swap3A_64 = arith.constant 0 : index
      %swap3A_65 = vector.load %arg10[%swap3A_63, %swap3A_64] : memref<2x128xf32, #tpu.memory_space<vmem>>, vector<1x128xf32>
      tpu.vector_store %arg10[%swap3A_63, %swap3A_64], %dot_general3A_62 {strides = array<i32>} : memref<2x128xf32, #tpu.memory_space<vmem>>, vector<1x128xf32>,
      %get3A_66 = arith.constant 0 : index
      %get3A_67 = arith.constant 0 : index
      %get3A_68 = vector.load %arg4[%get3A_66, %get3A_67] : memref<1x128xf32, #tpu.memory_space<vmem>>, vector<1x128xf32>
      %dot_general3A_69 = arith.constant dense<0.000000e+00> : vector<1x128xf32>
      %dot_general3A_70 = tpu.matmul %get3A_68, %get3A_52, %dot_general3A_69 {dimension_numbers = #tpu.dot_dimension_numbers<[1], [0], [0], [1], [0, 0, 1, 1], [], []>, transpose_lhs_hint = false} : vector<1x128xf32>, vector<128x128xf32>, vector<1x128xf32> -> vector<1x128xf32>
      %swap3A_71 = arith.constant 1 : index
      %swap3A_72 = arith.constant 0 : index
      %swap3A_73 = vector.load %arg10[%swap3A_71, %swap3A_72] : memref<2x128xf32, #tpu.memory_space<vmem>>, vector<1x128xf32>
      tpu.vector_store %arg10[%swap3A_71, %swap3A_72], %dot_general3A_70 {strides = array<i32>} : memref<2x128xf32, #tpu.memory_space<vmem>>, vector<1x128xf32>,
    } else {
    }
    %get3A = arith.constant 0 : index
    %get3A_2 = arith.constant 0 : index
    %get3A_3 = arith.constant 0 : index
    %get3A_4 = vector.load %arg1[%get3A, %get3A_2, %get3A_3] : memref<25x512x128xf32, #tpu.memory_space<vmem>>, vector<25x512x128xf32>
    %reshape3A = vector.shape_cast %get3A_4 : vector<25x512x128xf32> to vector<12800x128xf32>
    %get3A_5 = arith.constant 0 : index
    %get3A_6 = arith.constant 0 : index
    %get3A_7 = arith.constant 0 : index
    %get3A_8 = vector.load %arg2[%get3A_5, %get3A_6, %get3A_7] : memref<25x512x128xf32, #tpu.memory_space<vmem>>, vector<25x512x128xf32>
    %reshape3A_9 = vector.shape_cast %get3A_8 : vector<25x512x128xf32> to vector<12800x128xf32>
    %get3A_10 = arith.constant 0 : index
    %get3A_11 = arith.constant 0 : index
    %get3A_12 = vector.load %arg9[%get3A_10, %get3A_11] : memref<128x128xf32, #tpu.memory_space<vmem>>, vector<128x128xf32>
    %dot_general3A = arith.constant dense<0.000000e+00> : vector<12800x128xf32>
    %dot_general3A_13 = tpu.matmul %reshape3A, %get3A_12, %dot_general3A {dimension_numbers = #tpu.dot_dimension_numbers<[1], [0], [0], [1], [0, 0, 1, 1], [], []>, transpose_lhs_hint = false} : vector<12800x128xf32>, vector<128x128xf32>, vector<12800x128xf32> -> vector<12800x128xf32>
    %get3A_14 = arith.constant 1 : index
    %get3A_15 = arith.constant 0 : index
    %get3A_16 = vector.load %arg10[%get3A_14, %get3A_15] : memref<2x128xf32, #tpu.memory_space<vmem>>, vector<1x128xf32>
    %add3A = vector.broadcast %get3A_16 : vector<1x128xf32> to vector<12800x128xf32>
    %add3A_17 = arith.addf %dot_general3A_13, %add3A : vector<12800x128xf32>
    %mul3A = arith.mulf %add3A_17, %reshape3A_9 : vector<12800x128xf32>
    %get3A_18 = arith.constant 0 : index
    %get3A_19 = arith.constant 0 : index
    %get3A_20 = vector.load %arg10[%get3A_18, %get3A_19] : memref<2x128xf32, #tpu.memory_space<vmem>>, vector<1x128xf32>
    %mul3A_21 = vector.broadcast %get3A_20 : vector<1x128xf32> to vector<12800x128xf32>
    %mul3A_22 = arith.mulf %reshape3A, %mul3A_21 : vector<12800x128xf32>
    %add3A_23 = arith.addf %mul3A, %mul3A_22 : vector<12800x128xf32>
    %reshape3A_24 = vector.shape_cast %add3A_23 : vector<12800x128xf32> to vector<25x512x128xf32>
    %reduce_sum3A = arith.constant dense<0.000000e+00> : vector<25x512xf32>
    %reduce_sum3A_25 = vector.multi_reduction <add>, %reshape3A_24, %reduce_sum3A [2] : vector<25x512x128xf32> to vector<25x512xf32>
    %get3A_26 = arith.constant 0 : index
    %get3A_27 = arith.constant 0 : index
    %get3A_28 = vector.load %arg4[%get3A_26, %get3A_27] : memref<1x128xf32, #tpu.memory_space<vmem>>, vector<1x128xf32>
    %get3A_29 = arith.constant 0 : index
    %get3A_30 = arith.constant 0 : index
    %get3A_31 = vector.load %arg6[%get3A_29, %get3A_30] : memref<1x128xf32, #tpu.memory_space<vmem>>, vector<1x128xf32>
    %mul3A_32 = arith.mulf %get3A_28, %get3A_31 : vector<1x128xf32>
    %reduce_sum3A_33 = vector.shape_cast %mul3A_32 : vector<1x128xf32> to vector<1x1x128xf32>
    %reduce_sum3A_34 = arith.constant dense<0.000000e+00> : vector<1xf32>
    %reduce_sum3A_35 = vector.multi_reduction <add>, %reduce_sum3A_33, %reduce_sum3A_34 [1, 2] : vector<1x1x128xf32> to vector<1xf32>
    %reduce_sum3A_36 = vector.shape_cast %reduce_sum3A_35 : vector<1xf32> to vector<1x1x1xf32>
    %reduce_sum3A_37 = vector.extract %reduce_sum3A_36[0, 0, 0] : f32 from vector<1x1x1xf32>
    %add3A_38 = vector.broadcast %reduce_sum3A_37 : f32 to vector<25x512xf32>
    %add3A_39 = arith.addf %reduce_sum3A_25, %add3A_38 : vector<25x512xf32>
    %get3A_40 = arith.constant 0 : index
    %get3A_41 = arith.constant 0 : index
    %get3A_42 = memref.load %arg7[%get3A_40, %get3A_41] : memref<1x1xf32, #tpu.memory_space<smem>>
    %mul3A_43 = vector.broadcast %get3A_42 : f32 to vector<25x512xf32>
    %mul3A_44 = arith.mulf %add3A_39, %mul3A_43 : vector<25x512xf32>
    %swap3A = arith.constant 0 : index
    %swap3A_45 = arith.constant 0 : index
    %swap3A_46 = vector.load %arg8[%swap3A, %swap3A_45] : memref<25x512xf32, #tpu.memory_space<vmem>>, vector<25x512xf32>
    tpu.vector_store %arg8[%swap3A, %swap3A_45], %mul3A_44 {strides = array<i32>} : memref<25x512xf32, #tpu.memory_space<vmem>>, vector<25x512xf32>,
    return
  }
  func.func @transform_0(%arg0: i32) -> (i32, i32, i32) {
    %c0_i32 = arith.constant 0 : i32
    %c0_i32_0 = arith.constant 0 : i32
    %c0_i32_1 = arith.constant 0 : i32
    return %c0_i32, %arg0, %c0_i32_0 : i32, i32, i32
  }
  func.func @transform_1(%arg0: i32) -> (i32, i32, i32) {
    %c0_i32 = arith.constant 0 : i32
    %c0_i32_0 = arith.constant 0 : i32
    %c0_i32_1 = arith.constant 0 : i32
    return %c0_i32, %arg0, %c0_i32_0 : i32, i32, i32
  }
  func.func @transform_2(%arg0: i32) -> (i32, i32) {
    %c0_i32 = arith.constant 0 : i32
    %c0_i32_0 = arith.constant 0 : i32
    %c0_i32_1 = arith.constant 0 : i32
    return %c0_i32, %c0_i32_0 : i32, i32
  }
  func.func @transform_3(%arg0: i32) -> (i32, i32) {
    %c0_i32 = arith.constant 0 : i32
    %c0_i32_0 = arith.constant 0 : i32
    %c0_i32_1 = arith.constant 0 : i32
    return %c0_i32, %c0_i32_0 : i32, i32
  }
  func.func @transform_4(%arg0: i32) -> (i32, i32) {
    %c0_i32 = arith.constant 0 : i32
    %c0_i32_0 = arith.constant 0 : i32
    %c0_i32_1 = arith.constant 0 : i32
    return %c0_i32, %c0_i32_0 : i32, i32
  }
  func.func @transform_5(%arg0: i32) -> (i32, i32) {
    %c0_i32 = arith.constant 0 : i32
    %c0_i32_0 = arith.constant 0 : i32
    %c0_i32_1 = arith.constant 0 : i32
    return %c0_i32, %c0_i32_0 : i32, i32
  }
  func.func @transform_6(%arg0: i32) -> (i32, i32) {
    %c0_i32 = arith.constant 0 : i32
    %c0_i32_0 = arith.constant 0 : i32
    %c0_i32_1 = arith.constant 0 : i32
    return %c0_i32, %c0_i32_0 : i32, i32
  }
  func.func @transform_7(%arg0: i32) -> (i32, i32) {
    %c0_i32 = arith.constant 0 : i32
    %c0_i32_0 = arith.constant 0 : i32
    return %c0_i32, %arg0 : i32, i32
  }
}

module attributes {stable_mosaic.version = 14 : i64} {
  func.func @_tc_body(%arg0: i32, %arg1: memref<25x512x128xf32, #tpu.memory_space<vmem>>, %arg2: memref<25x512x128xf32, #tpu.memory_space<vmem>>, %arg3: memref<128x128xf32, #tpu.memory_space<vmem>>, %arg4: memref<1x128xf32, #tpu.memory_space<vmem>>, %arg5: memref<128x128xf32, #tpu.memory_space<vmem>>, %arg6: memref<1x128xf32, #tpu.memory_space<vmem>>, %arg7: memref<1x1xf32, #tpu.memory_space<smem>>, %arg8: memref<25x512xf32, #tpu.memory_space<vmem>>, %arg9: memref<128x128xf32, #tpu.memory_space<vmem>>, %arg10: memref<2x128xf32, #tpu.memory_space<vmem>>) attributes {dimension_semantics = [#tpu.dimension_semantics<arbitrary>], iteration_bounds = array<i64: 8>, scalar_prefetch = 0 : i64, scratch_operands = 2 : i64, tpu.core_type = #tpu.core_type<tc>, window_params = [{transform_indices = @transform_0, window_bounds = array<i64: 25, 512, 128>}, {transform_indices = @transform_1, window_bounds = array<i64: 25, 512, 128>}, {pipeline_mode = #tpu.pipeline_mode<synchronous>, transform_indices = @transform_2, window_bounds = array<i64: 128, 128>}, {pipeline_mode = #tpu.pipeline_mode<synchronous>, transform_indices = @transform_3, window_bounds = array<i64: 1, 128>}, {pipeline_mode = #tpu.pipeline_mode<synchronous>, transform_indices = @transform_4, window_bounds = array<i64: 128, 128>}, {pipeline_mode = #tpu.pipeline_mode<synchronous>, transform_indices = @transform_5, window_bounds = array<i64: 1, 128>}, {transform_indices = @transform_6, window_bounds = array<i64: 1, 1>}, {transform_indices = @transform_7, window_bounds = array<i64: 25, 512>}]} {
    %eq3A = arith.constant 0 : i32
    %eq3A_0 = arith.cmpi eq, %arg0, %eq3A : i32
    %convert_element_type3A = arith.extui %eq3A_0 : i1 to i32
    %cond3A = arith.constant 0 : i32
    %cond3A_1 = arith.cmpi ne, %convert_element_type3A, %cond3A : i32
    scf.if %cond3A_1 {
      %get3A_47 = arith.constant 0 : index
      %get3A_48 = arith.constant 0 : index
      %get3A_49 = vector.load %arg3[%get3A_47, %get3A_48] : memref<128x128xf32, #tpu.memory_space<vmem>>, vector<128x128xf32>
      %get3A_50 = arith.constant 0 : index
      %get3A_51 = arith.constant 0 : index
      %get3A_52 = vector.load %arg5[%get3A_50, %get3A_51] : memref<128x128xf32, #tpu.memory_space<vmem>>, vector<128x128xf32>
      %dot_general3A_53 = arith.constant dense<0.000000e+00> : vector<128x128xf32>
      %dot_general3A_54 = tpu.matmul %get3A_49, %get3A_52, %dot_general3A_53 {dimension_numbers = #tpu.dot_dimension_numbers<[0], [0], [1], [1], [0, 1, 1, 1], [], []>, transpose_lhs_hint = false} : vector<128x128xf32>, vector<128x128xf32>, vector<128x128xf32> -> vector<128x128xf32>
      %swap3A_55 = arith.constant 0 : index
      %swap3A_56 = arith.constant 0 : index
      %swap3A_57 = vector.load %arg9[%swap3A_55, %swap3A_56] : memref<128x128xf32, #tpu.memory_space<vmem>>, vector<128x128xf32>
      tpu.vector_store %arg9[%swap3A_55, %swap3A_56], %dot_general3A_54 {strides = array<i32>} : memref<128x128xf32, #tpu.memory_space<vmem>>, vector<128x128xf32>,
      %get3A_58 = arith.constant 0 : index
      %get3A_59 = arith.constant 0 : index
      %get3A_60 = vector.load %arg6[%get3A_58, %get3A_59] : memref<1x128xf32, #tpu.memory_space<vmem>>, vector<1x128xf32>
      %dot_general3A_61 = arith.constant dense<0.000000e+00> : vector<1x128xf32>
      %dot_general3A_62 = tpu.matmul %get3A_60, %get3A_49, %dot_general3A_61 {dimension_numbers = #tpu.dot_dimension_numbers<[1], [0], [0], [1], [0, 0, 1, 1], [], []>, transpose_lhs_hint = false} : vector<1x128xf32>, vector<128x128xf32>, vector<1x128xf32> -> vector<1x128xf32>
      %swap3A_63 = arith.constant 0 : index
      %swap3A_64 = arith.constant 0 : index
      %swap3A_65 = vector.load %arg10[%swap3A_63, %swap3A_64] : memref<2x128xf32, #tpu.memory_space<vmem>>, vector<1x128xf32>
      tpu.vector_store %arg10[%swap3A_63, %swap3A_64], %dot_general3A_62 {strides = array<i32>} : memref<2x128xf32, #tpu.memory_space<vmem>>, vector<1x128xf32>,
      %get3A_66 = arith.constant 0 : index
      %get3A_67 = arith.constant 0 : index
      %get3A_68 = vector.load %arg4[%get3A_66, %get3A_67] : memref<1x128xf32, #tpu.memory_space<vmem>>, vector<1x128xf32>
      %dot_general3A_69 = arith.constant dense<0.000000e+00> : vector<1x128xf32>
      %dot_general3A_70 = tpu.matmul %get3A_68, %get3A_52, %dot_general3A_69 {dimension_numbers = #tpu.dot_dimension_numbers<[1], [0], [0], [1], [0, 0, 1, 1], [], []>, transpose_lhs_hint = false} : vector<1x128xf32>, vector<128x128xf32>, vector<1x128xf32> -> vector<1x128xf32>
      %swap3A_71 = arith.constant 1 : index
      %swap3A_72 = arith.constant 0 : index
      %swap3A_73 = vector.load %arg10[%swap3A_71, %swap3A_72] : memref<2x128xf32, #tpu.memory_space<vmem>>, vector<1x128xf32>
      tpu.vector_store %arg10[%swap3A_71, %swap3A_72], %dot_general3A_70 {strides = array<i32>} : memref<2x128xf32, #tpu.memory_space<vmem>>, vector<1x128xf32>,
    } else {
    }
    %get3A = arith.constant 0 : index
    %get3A_2 = arith.constant 0 : index
    %get3A_3 = arith.constant 0 : index
    %get3A_4 = vector.load %arg1[%get3A, %get3A_2, %get3A_3] : memref<25x512x128xf32, #tpu.memory_space<vmem>>, vector<25x512x128xf32>
    %reshape3A = vector.shape_cast %get3A_4 : vector<25x512x128xf32> to vector<12800x128xf32>
    %get3A_5 = arith.constant 0 : index
    %get3A_6 = arith.constant 0 : index
    %get3A_7 = arith.constant 0 : index
    %get3A_8 = vector.load %arg2[%get3A_5, %get3A_6, %get3A_7] : memref<25x512x128xf32, #tpu.memory_space<vmem>>, vector<25x512x128xf32>
    %reshape3A_9 = vector.shape_cast %get3A_8 : vector<25x512x128xf32> to vector<12800x128xf32>
    %get3A_10 = arith.constant 0 : index
    %get3A_11 = arith.constant 0 : index
    %get3A_12 = vector.load %arg9[%get3A_10, %get3A_11] : memref<128x128xf32, #tpu.memory_space<vmem>>, vector<128x128xf32>
    %dot_general3A = arith.constant dense<0.000000e+00> : vector<12800x128xf32>
    %dot_general3A_13 = tpu.matmul %reshape3A, %get3A_12, %dot_general3A {dimension_numbers = #tpu.dot_dimension_numbers<[1], [0], [0], [1], [0, 0, 1, 1], [], []>, transpose_lhs_hint = false} : vector<12800x128xf32>, vector<128x128xf32>, vector<12800x128xf32> -> vector<12800x128xf32>
    %get3A_14 = arith.constant 1 : index
    %get3A_15 = arith.constant 0 : index
    %get3A_16 = vector.load %arg10[%get3A_14, %get3A_15] : memref<2x128xf32, #tpu.memory_space<vmem>>, vector<1x128xf32>
    %add3A = vector.broadcast %get3A_16 : vector<1x128xf32> to vector<12800x128xf32>
    %add3A_17 = arith.addf %dot_general3A_13, %add3A : vector<12800x128xf32>
    %mul3A = arith.mulf %add3A_17, %reshape3A_9 : vector<12800x128xf32>
    %get3A_18 = arith.constant 0 : index
    %get3A_19 = arith.constant 0 : index
    %get3A_20 = vector.load %arg10[%get3A_18, %get3A_19] : memref<2x128xf32, #tpu.memory_space<vmem>>, vector<1x128xf32>
    %mul3A_21 = vector.broadcast %get3A_20 : vector<1x128xf32> to vector<12800x128xf32>
    %mul3A_22 = arith.mulf %reshape3A, %mul3A_21 : vector<12800x128xf32>
    %add3A_23 = arith.addf %mul3A, %mul3A_22 : vector<12800x128xf32>
    %reshape3A_24 = vector.shape_cast %add3A_23 : vector<12800x128xf32> to vector<25x512x128xf32>
    %reduce_sum3A = arith.constant dense<0.000000e+00> : vector<25x512xf32>
    %reduce_sum3A_25 = vector.multi_reduction <add>, %reshape3A_24, %reduce_sum3A [2] : vector<25x512x128xf32> to vector<25x512xf32>
    %get3A_26 = arith.constant 0 : index
    %get3A_27 = arith.constant 0 : index
    %get3A_28 = vector.load %arg4[%get3A_26, %get3A_27] : memref<1x128xf32, #tpu.memory_space<vmem>>, vector<1x128xf32>
    %get3A_29 = arith.constant 0 : index
    %get3A_30 = arith.constant 0 : index
    %get3A_31 = vector.load %arg6[%get3A_29, %get3A_30] : memref<1x128xf32, #tpu.memory_space<vmem>>, vector<1x128xf32>
    %mul3A_32 = arith.mulf %get3A_28, %get3A_31 : vector<1x128xf32>
    %reduce_sum3A_33 = vector.shape_cast %mul3A_32 : vector<1x128xf32> to vector<1x1x128xf32>
    %reduce_sum3A_34 = arith.constant dense<0.000000e+00> : vector<1xf32>
    %reduce_sum3A_35 = vector.multi_reduction <add>, %reduce_sum3A_33, %reduce_sum3A_34 [1, 2] : vector<1x1x128xf32> to vector<1xf32>
    %reduce_sum3A_36 = vector.shape_cast %reduce_sum3A_35 : vector<1xf32> to vector<1x1x1xf32>
    %reduce_sum3A_37 = vector.extract %reduce_sum3A_36[0, 0, 0] : f32 from vector<1x1x1xf32>
    %add3A_38 = vector.broadcast %reduce_sum3A_37 : f32 to vector<25x512xf32>
    %add3A_39 = arith.addf %reduce_sum3A_25, %add3A_38 : vector<25x512xf32>
    %get3A_40 = arith.constant 0 : index
    %get3A_41 = arith.constant 0 : index
    %get3A_42 = memref.load %arg7[%get3A_40, %get3A_41] : memref<1x1xf32, #tpu.memory_space<smem>>
    %mul3A_43 = vector.broadcast %get3A_42 : f32 to vector<25x512xf32>
    %mul3A_44 = arith.mulf %add3A_39, %mul3A_43 : vector<25x512xf32>
    %swap3A = arith.constant 0 : index
    %swap3A_45 = arith.constant 0 : index
    %swap3A_46 = vector.load %arg8[%swap3A, %swap3A_45] : memref<25x512xf32, #tpu.memory_space<vmem>>, vector<25x512xf32>
    tpu.vector_store %arg8[%swap3A, %swap3A_45], %mul3A_44 {strides = array<i32>} : memref<25x512xf32, #tpu.memory_space<vmem>>, vector<25x512xf32>,
    return
  }
  func.func @transform_0(%arg0: i32) -> (i32, i32, i32) {
    %c1_i32 = arith.constant 1 : i32
    %c0_i32 = arith.constant 0 : i32
    %c0_i32_0 = arith.constant 0 : i32
    return %c1_i32, %arg0, %c0_i32 : i32, i32, i32
  }
  func.func @transform_1(%arg0: i32) -> (i32, i32, i32) {
    %c0_i32 = arith.constant 0 : i32
    %c0_i32_0 = arith.constant 0 : i32
    %c0_i32_1 = arith.constant 0 : i32
    return %c0_i32, %arg0, %c0_i32_0 : i32, i32, i32
  }
  func.func @transform_2(%arg0: i32) -> (i32, i32) {
    %c0_i32 = arith.constant 0 : i32
    %c0_i32_0 = arith.constant 0 : i32
    %c0_i32_1 = arith.constant 0 : i32
    return %c0_i32, %c0_i32_0 : i32, i32
  }
  func.func @transform_3(%arg0: i32) -> (i32, i32) {
    %c0_i32 = arith.constant 0 : i32
    %c0_i32_0 = arith.constant 0 : i32
    %c0_i32_1 = arith.constant 0 : i32
    return %c0_i32, %c0_i32_0 : i32, i32
  }
  func.func @transform_4(%arg0: i32) -> (i32, i32) {
    %c0_i32 = arith.constant 0 : i32
    %c0_i32_0 = arith.constant 0 : i32
    %c0_i32_1 = arith.constant 0 : i32
    return %c0_i32, %c0_i32_0 : i32, i32
  }
  func.func @transform_5(%arg0: i32) -> (i32, i32) {
    %c0_i32 = arith.constant 0 : i32
    %c0_i32_0 = arith.constant 0 : i32
    %c0_i32_1 = arith.constant 0 : i32
    return %c0_i32, %c0_i32_0 : i32, i32
  }
  func.func @transform_6(%arg0: i32) -> (i32, i32) {
    %c0_i32 = arith.constant 0 : i32
    %c0_i32_0 = arith.constant 0 : i32
    %c0_i32_1 = arith.constant 0 : i32
    return %c0_i32, %c0_i32_0 : i32, i32
  }
  func.func @transform_7(%arg0: i32) -> (i32, i32) {
    %c0_i32 = arith.constant 0 : i32
    %c0_i32_0 = arith.constant 0 : i32
    return %c0_i32, %arg0 : i32, i32
  }
}

</mosaic_0001>

<sc_bundles>
// kernel: kernel.6.cloned.1.call-start
scs
__scs_entry_jumppad:
0x0: {  	(pc) =	sbr.rel $0x88, $3  }
0x1: {  	(tag) =	ssettag $0x0;
	lr =	simm.s32 $0x1  }
0x2: {  	[smem:$0x3F99] =	sst lr;
	_ =	strace $0xD0000000  }
0x3: {  	_ = 	snop  }
0x4: {  	_ = 	snop  }
0x5: {  	_ = 	snop  }
0x6: {  	_ = 	snop  }
0x7: {  	_ = 	snop  }
__scs_overlays_trampoline_lowered:
0x8: {  	[smem:$0x3FA8] =	sst s0  }
0x9: {  	[smem:$0x3FA9] =	sst s1  }
0xa: {  	[smem:$0x3FAA] =	sst s2  }
0xb: {  	[smem:$0x3FAB] =	sst s3  }
0xc: {  	[smem:$0x3FAC] =	sst s4  }
0xd: {  	[smem:$0x3FAD] =	sst s5  }
0xe: {  	[smem:$0x3FAE] =	sst s6  }
0xf: {  	[smem:$0x3FAF] =	sst s7  }
0x10: {  	[smem:$0x3FB0] =	sst s8  }
0x11: {  	[smem:$0x3FB1] =	sst s9;
	s0 =	simm.s32 @!p0 $0x0  }
0x12: {  	s1 =	sld [smem:$0x3F97];
	s0 =	simm.s32 @p0 $0x1  }
0x13: {  	[smem:$0x3FB2] =	sst s0;
	s0 =	simm.s32 @!p1 $0x0  }
0x14: {  	s2 =	sld [smem:$0x3F96];
	s0 =	simm.s32 @p1 $0x1  }
0x15: {  	[smem:$0x3FB3] =	sst s0;
	s0 =	simm.s32 @!p2 $0x0  }
0x16: {  	s3 =	sld [smem:$0x3FDB];
	s0 =	simm.s32 @p2 $0x1  }
0x17: {  	s4 =	simm.s32 $0x1BF5;
	[smem:$0x3FB5] =	sst s0  }
0x18: {  	s0 =	sld [smem:$0x3F98];
	_ =	swait.ge [sflag:s4], $0x0  }
0x19: {  	s7 =	sld [smem:$0x3F99]  }
0x1a: {  	s8 =	sadd.s32 $0xFFFFE003, lr  }
0x1b: {  	s9 =	sadd.s32 $0xFFFFFEF7, lr;
	s5 =	simm.s32 $0xFFFFFFFF;
	p2 =	slt.u32 s8, $0xFFFFF086  }
0x1c: {  	p1 =	slt.u32 s9, $0xF7A;
	s5 =	simm.s32 @!p2 $0x0  }
0x1d: {  	s5 =	simm.s32 @p1 $0x1;
	p0 =	seq.s32 s7, s2  }
0x1e: {  	s7 =	smul.u32 @!p0 $0xF7A, s2;
	p2 =	seq.s32 @!p0 s5, $0x0  }
0x1f: {  	s9 =	smul.u32 $0xF7A, s1;
	s8 =	simm.s32 @!p0 $0x1BF5;
	p2 =	por !p2, p0  }
0x20: {  	[sflag:s8] =	ssyncset.s32 @!p0 $0xFFFFF086;
	s6 =	sadd.s32 @!p0 s3, s7;
	s7 =	simm.s32 @!p0 $0x108  }
0x21: {  	s3 =	sadd.s32 s3, s9;
	s6 =	sadd.s32 @!p0 $0x88, s6;
	s7 =	simm.s32 @p2 $0x1082  }
0x22: {  	[simem:s7], [sflag:s8] =	dma.local @!p0 [hbm:s6], $0xF7A  }
0x23: {  	s9 =	sor.u32 $0xD0000000, s2;
	s6 =	simm.s32 $0x108;
	_ =	swait.ge @!p0 [sflag:s8], $0x0  }
0x24: {  	s3 =	sadd.s32 $0x88, s3;
	s6 =	simm.s32 @!p1 $0x1082;
	[sflag:s4] =	ssyncset.s32 $0xFFFFF086  }
0x25: {  	[simem:s6], [sflag:s4] =	dma.local [hbm:s3], $0xF7A  }
0x26: {  	[smem:$0x3F99] =	sst s1;
	(tag) =	ssettag s2;
	_ =	strace s9  }
0x27: {  	s1 =	sld [smem:$0x3FA9]  }
0x28: {  	s2 =	sld [smem:$0x3FAA]  }
0x29: {  	s4 =	sld [smem:$0x3FAC]  }
0x2a: {  	p0 =	seq.s32 s5, $0x0;
	s5 =	sld [smem:$0x3FAD]  }
0x2b: {  	s6 =	sld [smem:$0x3FAE]  }
0x2c: {  	s7 =	sld [smem:$0x3FAF]  }
0x2d: {  	s3 =	simm.s32 $0x108;
	s8 =	sld [smem:$0x3FB0]  }
0x2e: {  	s3 =	simm.s32 @!p0 $0x1082;
	s9 =	sld [smem:$0x3FB1]  }
0x2f: {  	lr =	sadd.s32 s0, s3;
	s0 =	sld [smem:$0x3FA8]  }
0x30: {  	s3 =	sld [smem:$0x3FAB]  }
0x31: {  	[smem:$0x3FB4] =	sst s10  }
0x32: {  	s10 =	sld [smem:$0x3FB2];
	_ =	sdelay $0x3  }
0x33: {  	p0 =	seq.s32 s10, $0x1;
	s10 =	sld [smem:$0x3FB4];
	_ =	sdelay $0x3  }
0x34: {  	[smem:$0x3FB4] =	sst s10  }
0x35: {  	s10 =	sld [smem:$0x3FB3];
	_ =	sdelay $0x3  }
0x36: {  	p1 =	seq.s32 s10, $0x1;
	s10 =	sld [smem:$0x3FB4];
	_ =	sdelay $0x3  }
0x37: {  	[smem:$0x3FB4] =	sst s10  }
0x38: {  	s10 =	sld [smem:$0x3FB5]  }
0x39: {  	_ = 	snop;
	(pc) =	sbr.ind lr, $3  }
0x3a: {  	_ = 	snop  }
0x3b: {  	_ = 	snop  }
0x3c: {  	p2 =	seq.s32 s10, $0x1;
	s10 =	sld [smem:$0x3FB4]  }
0x3d: {  	_ =	shalt  }
0x3e: {  	_ =	shalt  }
0x3f: {  	_ =	shalt  }
0x40: {  	_ =	shalt  }
0x41: {  	_ =	shalt  }
0x42: {  	_ =	shalt  }
0x43: {  	_ =	shalt  }
0x44: {  	_ =	shalt  }
0x45: {  	_ =	shalt  }
0x46: {  	_ =	shalt  }
0x47: {  	_ =	shalt  }
0x48: {  	_ =	shalt  }
0x49: {  	_ =	shalt  }
0x4a: {  	_ =	shalt  }
0x4b: {  	_ =	shalt  }
0x4c: {  	_ =	shalt  }
0x4d: {  	_ =	shalt  }
0x4e: {  	_ =	shalt  }
0x4f: {  	_ =	shalt  }
0x50: {  	_ =	shalt  }
0x51: {  	_ =	shalt  }
0x52: {  	_ =	shalt  }
0x53: {  	_ =	shalt  }
0x54: {  	_ =	shalt  }
0x55: {  	_ =	shalt  }
0x56: {  	_ =	shalt  }
0x57: {  	_ =	shalt  }
0x58: {  	_ =	shalt  }
0x59: {  	_ =	shalt  }
0x5a: {  	_ =	shalt  }
0x5b: {  	_ =	shalt  }
0x5c: {  	_ =	shalt  }
0x5d: {  	_ =	shalt  }
0x5e: {  	_ =	shalt  }
0x5f: {  	_ =	shalt  }
0x60: {  	_ =	shalt  }
0x61: {  	_ =	shalt  }
0x62: {  	_ =	shalt  }
0x63: {  	_ =	shalt  }
0x64: {  	_ =	shalt  }
0x65: {  	_ =	shalt  }
0x66: {  	_ =	shalt  }
0x67: {  	_ =	shalt  }
0x68: {  	_ =	shalt  }
0x69: {  	_ =	shalt  }
0x6a: {  	_ =	shalt  }
0x6b: {  	_ =	shalt  }
0x6c: {  	_ =	shalt  }
0x6d: {  	_ =	shalt  }
0x6e: {  	_ =	shalt  }
0x6f: {  	_ =	shalt  }
0x70: {  	_ =	shalt  }
0x71: {  	_ =	shalt  }
0x72: {  	_ =	shalt  }
0x73: {  	_ =	shalt  }
0x74: {  	_ =	shalt  }
0x75: {  	_ =	shalt  }
0x76: {  	_ =	shalt  }
0x77: {  	_ =	shalt  }
0x78: {  	_ =	shalt  }
0x79: {  	_ =	shalt  }
0x7a: {  	_ =	shalt  }
0x7b: {  	_ =	shalt  }
0x7c: {  	_ =	shalt  }
0x7d: {  	_ =	shalt  }
0x7e: {  	_ =	shalt  }
0x7f: {  	_ =	shalt  }
0x80: {  	_ =	shalt  }
0x81: {  	_ =	shalt  }
0x82: {  	_ =	shalt  }
0x83: {  	_ =	shalt  }
0x84: {  	_ =	shalt  }
0x85: {  	_ =	shalt  }
0x86: {  	_ =	shalt  }
0x87: {  	_ =	shalt  }
.Lfunc_end0:
.L_simem_size_0:
called_computation_lowered:
.L_overlay_start_0:
0x88: {  	s2 =	sld [smem:$0x3FD9]  }
0x89: {  	s3 =	sld [smem:$0x3FFE];
	_ =	sdelay $0x1  }
0x8a: {  	s1 =	srdreg.scid  }
0x8b: {  	s0 =	sand.u32 $0x1, s1  }
0x8c: {  	s17 =	sshll.u32 s0, $0xA;
	s2 =	sadd.s32 s3, s2  }
0x8d: {  	s2 =	sadd.s32 s2, s17  }
0x8e: {  	[smem:$0x3FC0] =	sst s2  }
0x8f: {  	_ = 	snop  }
0x90: {  	s2 =	sld [smem:$0x3FC5];
	(tm) =	ssettm $0x1  }
0x91: {  	s18 =	sld [smem:$0x3FFB];
	_ =	sdelay $0x3  }
0x92: {  	_ =	strace s18  }
0x93: {  	s3 =	sld [smem:$0x3FFC];
	_ =	sdelay $0x3  }
0x94: {  	_ =	strace s3  }
0x95: {  	s3 =	sld [smem:$0x3FFD];
	_ =	sdelay $0x3  }
0x96: {  	_ =	strace s3  }
0x97: {  	_ =	strace $0x8FFFFFFF  }
0x98: {  	s19 =	sld [smem:$0x3FDB];
	_ =	sdelay $0x1  }
0x99: {  	s4 =	simm.s32 $_scs_section_size  }
0x9a: {  	s5 =	simm.s32 $_size__tile_overlayer_lowered;
	s6 =	simm.s32 $_tile_overlayer_lowered  }
0x9b: {  	s22 =	simm.s32 $0x1BFF;
	s21 =	sshll.u32 s6, $0x1;
	s3 =	sadd.s32 s4, s19  }
0x9c: {  	s7 =	simm.s32 $0x0;
	s20 =	sshll.u32 s5, $0x1;
	s5 =	sadd.s32 s21, s3  }
0x9d: {  	[timem:s7], [sflag:s22] =	dma.local [hbm:s5], s20  }
0x9e: {  	_ =	swait.ge [sflag:s22], s20  }
0x9f: {  	s4 =	ssub.s32 $0x0, s20;
	[sflag:s22] =	ssyncset.done $0x0  }
0xa0: {  	[sflag:s22] =	ssyncadd.s32 s4;
	_ =	sdelay $0x1  }
0xa1: {  	s23 =	simm.s32 $0x1B8B  }
0xa2: {  	_ =	swait.ge [sflag:s23], $0x1  }
0xa3: {  	[sflag:s23] =	ssyncset.done $0x0  }
0xa4: {  	s25 =	simm.s32 $0x1B8E;
	s24 =	sld [smem:$0x3FFE];
	[sflag:s23] =	ssyncadd.s32 $0xFFFFFFFF  }
0xa5: {  	s26 =	simm.s32 $execute0_lowered;
	[smem:$0x3FD2] =	sst s25  }
0xa6: {  	s5 =	sshll.u32 s26, $0x1;
	_ =	strace $0x80000046;
	[dreg:$0x1] =	wrdreg $0xFFFFFFFF  }
0xa7: {  	s28 =	simm.s32 $_size_execute0_lowered;
	s3 =	sadd.s32 s3, s5;
	[dreg:$0x0] =	wrdreg $0x0  }
0xa8: {  	s5 =	sshll.u32 s28, $0x1;
	[dreg:$0x2] =	wrdreg s3  }
0xa9: {  	[dreg:$0x3] =	wrdreg s5  }
0xaa: {  	[dreg:$0x4] =	wrdreg $0xC0  }
0xab: {  	_ =	task [dreg:s7], $0x5FFFF  }
0xac: {  	[dreg:$0x1] =	wrdreg $0xFFFFFFFF  }
0xad: {  	[dreg:$0x0] =	wrdreg $0x60  }
0xae: {  	[dreg:$0x2] =	wrdreg s2  }
0xaf: {  	[dreg:$0x3] =	wrdreg s24  }
0xb0: {  	[dreg:$0x4] =	wrdreg $0x9  }
0xb1: {  	_ =	task.clear_ibuf [dreg:s7], $0x5FFFF;
	_ =	strace $0x90000046  }
0xb2: {  	s29 =	simm.s32 $0x9;
	_ =	strace $0x80000048  }
0xb3: {  	_ =	swait.ge [sflag:s29], $0x1  }
0xb4: {  	[sflag:s29] =	ssyncadd.s32 $0xFFFFFFFF  }
0xb5: {  	_ =	strace $0x90000048  }
0xb6: {  	_ =	sfence  }
0xb7: {  	s30 =	sld [smem:$0x0];
	_ =	sdelay $0x2  }
0xb8: {  	s31 =	sshll.u32 s1, $0xD;
	s1 =	sshrl.u32 s1, $0x2  }
0xb9: {  	s3 =	sand.u32 $0x4000, s31;
	s1 =	sadd.s32 s1, s30  }
0xba: {  	s0 =	sor.u32 s3, s0;
	s1 =	sshll.u32 s1, $0x11  }
0xbb: {  	s0 =	sor.u32 s1, s0  }
0xbc: {  	s0 =	sadd.s32 $0x8F2B, s0  }
0xbd: {  	[sflag:s0] =	ssyncadd.remote.s32 $0x1  }
0xbe: {  	_ =	sfence.sel $0xFFFF  }
0xbf: {  	[dreg:$0x0] =	wrdreg $0xFFFFFFFF;
	(pc) =	sbr.abs _section_cstart, $3  }
0xc0: {  	[dreg:$0x1] =	wrdreg $0xFFFFFFFF  }
0xc1: {  	_ =	task.clear_ibuf [dreg:s7], $0x2FFFF;
	_ =	strace $0x9FFFFFFF  }
0xc2: {  	(tm) =	ssettm $0x7FFFFFFF  }
0xc3: {  	_ =	shalt  }
tec
execute0_lowered:
.L_overlay_start_1:
0x0: {  	(tag) =	ssettag $0x1  }
0x1: {  	s2 =	rddreg [dreg:$0x0]  }
0x2: {  	s4 =	rddreg [dreg:$0x1]  }
0x3: {  	s0 =	rddreg [dreg:$0x2];
	s5 =	srdreg.scid  }
0x4: {  	s1 =	stileid.u32;
	s3 =	simm.s32 $0x0;
	s12 =	simm.s32 $0x100  }
0x5: {  	s13 =	simm.s32 $0x9000;
	s14 =	simm.s32 $0x180;
	s15 =	simm.s32 $0xD000  }
0x6: {  	s16 =	simm.s32 $0x1;
	s17 =	simm.s32 $0x2;
	s18 =	simm.s32 $0x0  }
0x7: {  	s5 =	sand.u32 $0x1, s5;
	s6 =	sshll.u32 s1, $0x1;
	[smem:$0x7FF] =	sst s3  }
0x8: {  	s9 =	smul.u32 $0x19000, s1;
	s10 =	sadd.s32 $0x5000, s4;
	s6 =	sor.u32 s5, s6  }
0x9: {  	_ =	strace $0x80000047;
	s8 =	ssub.s32 $0x2, s5;
	s11 =	smul.u32 $0xC800, s5  }
0xa: {  	s7 =	sshll.u32 s6, $0x9;
	s6 =	smul.u32 $0xC800, s6;
	s29 =	sshrl.u32 s8, $0x1  }
0xb: {  	s31 =	sadd.s32 s9, s10;
	s9 =	simm.s32 $0x80;
	s7 =	sadd.s32 s7, s4  }
0xc: {  	s30 =	ssub.s32 s8, s29;
	s8 =	simm.s32 $0x3;
	s4 =	sadd.s32 $0x1000, s7  }
0xd: {  	s5 =	smax.u32 s30, $0x1;
	s6 =	sadd.s32 s10, s6;
	s7 =	sadd.s32 s11, s31  }
0xe: {  	s10 =	simm.s32 $0x1000;
	s11 =	simm.s32 $0x5000;
	s7 =	sadd.s32 $0x800, s7  }
.LBB2_1:
0xf: {  	[tilespmem:s3], [sflag:$0x3] =	stream.linear.gather [hbm4b:s4+s3], $0x1000, $0x38;
	[tilespmem:$0x11000] =	vst v63  }
0x10: {  	_ =	swait.ge [sflag:s8], $0x1000  }
0x11: {  	[sflag:s8] =	ssyncset.done $0x0  }
0x12: {  	[sflag:s8] =	ssyncadd.s32 $0xFFFFF000  }
0x13: {  	[tilespmem:s10], [sflag:$0x1] =	stream.indirect.gather [hbm4b:s2+s9], $0x80, s3, s9, $0xb8;
	[tilespmem:$0x11000] =	vst v63  }
0x14: {  	_ = 	snop  }
0x15: {  	[tilespmem:s11], [sflag:$0x1] =	stream.indirect.gather [hbm4b:s2+s9], $0x80, s9, s9, $0xb8;
	[tilespmem:$0x11000] =	vst v63  }
0x16: {  	_ = 	snop  }
0x17: {  	[tilespmem:s13], [sflag:$0x1] =	stream.indirect.gather [hbm4b:s2+s9], $0x80, s12, s9, $0xb8;
	[tilespmem:$0x11000] =	vst v63  }
0x18: {  	_ =	swait.ge [sflag:s16], $0x4000  }
0x19: {  	[sflag:s16] =	ssyncset.done $0x0  }
0x1a: {  	[sflag:s16] =	ssyncadd.s32 $0xFFFFC000  }
0x1b: {  	[hbm4b:s6+s3] =	stream.linear.scatter [tilespmem:s10], [sflag:$0x2], $0x4000, $0x38;
	[tilespmem:$0x11000] =	vst v63  }
0x1c: {  	s23 =	simm.s32 $0x10000  }
0x1d: {  	[tilespmem:s15], [sflag:$0x1] =	stream.indirect.gather [hbm4b:s2+s9], $0x80, s14, s9, $0xb8;
	[tilespmem:$0x11000] =	vst v63  }
0x1e: {  	s19 =	simm.s32 $0x200;
	s21 =	simm.s32 $0x4000;
	_ =	swait.ge [sflag:s16], $0x4000  }
0x1f: {  	s20 =	simm.s32 $0x2;
	s22 =	sand.u32 $0xC000, s21;
	[sflag:s16] =	ssyncset.done $0x0  }
0x20: {  	p0 =	por $0x0, $0x0;
	s22 =	sor.u32 $0x1000, s22;
	[sflag:s16] =	ssyncadd.s32 $0xFFFFC000  }
0x21: {  	[hbm4b:s7+s3] =	stream.linear.scatter [tilespmem:s22], [sflag:$0x2], $0x4000, $0x38;
	[tilespmem:$0x11000] =	vst v63  }
0x22: {  	s21 =	sadd.s32 $0x800, s7;
	s24 =	sand.u32 @!p0 $0xC000, s23;
	_ =	swait.ge [sflag:s17], $0x4000  }
0x23: {  	s23 =	simm.s32 $0x14000;
	s25 =	simm.s32 @!p0 $0x80;
	[sflag:s17] =	ssyncset.done $0x0  }
0x24: {  	s24 =	sor.u32 @!p0 $0x1000, s24;
	s22 =	simm.s32 $0x280;
	[sflag:s17] =	ssyncadd.s32 $0xFFFFC000  }
.LBB2_2:
0x25: {  	[tilespmem:s24], [sflag:$0x1] =	stream.indirect.gather @!p0 [hbm4b:s2+s25], $0x80, s19, s25, $0xb8;
	[tilespmem:$0x11000] =	vst v63  }
0x26: {  	s24 =	smov.u32 s20;
	s25 =	smov.u32 s21;
	s19 =	smov.u32 s22  }
0x27: {  	s20 =	sadd.s32 $0x1, s20  }
0x28: {  	s26 =	sadd.s32 $0xFFFF4000, s23;
	p1 =	sne.s32 s20, $0x19;
	_ =	swait.ge [sflag:s16], $0x4000  }
0x29: {  	s21 =	sadd.s32 $0x800, s21;
	s26 =	sand.u32 $0xC000, s26;
	[sflag:s16] =	ssyncset.done $0x0  }
.Ltmp0:
0x2a: {  	s26 =	sor.u32 $0x1000, s26;
	[sflag:s16] =	ssyncadd.s32 $0xFFFFC000;
	(pc) =	sbr.rel @p1 .LBB2_2-.Ltmp0, $4  }
0x2b: {  	[hbm4b:s25+s3] =	stream.linear.scatter [tilespmem:s26], [sflag:$0x2], $0x4000, $0x38;
	[tilespmem:$0x11000] =	vst v63  }
0x2c: {  	s22 =	sadd.s32 $0x80, s22;
	p0 =	sgt.u32 s24, $0x15;
	_ =	swait.ge [sflag:s17], $0x4000  }
0x2d: {  	s24 =	sand.u32 @!p0 $0xC000, s23;
	s23 =	sadd.s32 $0x4000, s23;
	[sflag:s17] =	ssyncset.done $0x0  }
0x2e: {  	s24 =	sor.u32 @!p0 $0x1000, s24;
	s25 =	simm.s32 @!p0 $0x80;
	[sflag:s17] =	ssyncadd.s32 $0xFFFFC000  }
0x2f: {  	[tilespmem:s24], [sflag:$0x1] =	stream.indirect.gather @!p0 [hbm4b:s2+s25], $0x80, s19, s25, $0xb8;
	[tilespmem:$0x11000] =	vst v63  }
0x30: {  	s18 =	sadd.s32 $0x1, s18  }
0x31: {  	p0 =	sne.s32 s18, s5  }
.Ltmp1:
0x32: {  	_ = 	snop;
	(pc) =	sbr.rel @p0 .LBB2_1-.Ltmp1, $4  }
0x33: {  	_ = 	snop  }
0x34: {  	_ =	swait.ge [sflag:s17], $0x4000  }
0x35: {  	[sflag:s17] =	ssyncset.done $0x0  }
0x36: {  	[sflag:s17] =	ssyncadd.s32 $0xFFFFC000  }
0x37: {  	_ =	sfence.sel $0x180000  }
0x38: {  	[bflag:$0x0] =	sbarrier.arrive $0xFFFF  }
0x39: {  	p0 =	sne.s32 s1, $0x0;
	_ =	strace $0x90000047  }
0x3a: {  	s0 =	sadd.s32 @!p0 $0x100000, s0;
	[bflag:$0x2] =	sbarrier.arrive $0xFFFF  }
0x3b: {  	[sflag:s0] =	ssyncadd.tile.s32 @!p0 $0x1;
	_ =	shalt  }
.Lfunc_end2:
_tile_overlayer_lowered:
.L_overlay_start_2:
0x3c: {  	(tag) =	ssettag $0x2  }
0x3d: {  	s0 =	rddreg [dreg:$0x0];
	s2 =	stileid.u32  }
0x3e: {  	s1 =	rddreg [dreg:$0x1];
	p0 =	sne.s32 s2, $0x0  }
0x3f: {  	s3 =	rddreg [dreg:$0x2];
	[bflag:$0x3] =	sbarrier.arrive $0xFFFF;
	s2 =	simm.s32 @!p0 $0x1C03  }
0x40: {  	[timem:s3], [sflag:s2] =	dma.local @!p0 [hbm:s0], s1  }
0x41: {  	s0 =	simm.s32 @!p0 $0x3  }
0x42: {  	_ =	swait.ge @!p0 [sflag:s0], s1  }
0x43: {  	s1 =	ssub.s32 @!p0 $0x0, s1;
	[sflag:s0] =	ssyncset.done @!p0 $0x0  }
0x44: {  	[sflag:s0] =	ssyncadd.s32 @!p0 s1  }
0x45: {  	[bflag:$0x3] =	sbarrier.arrive $0xFFFF  }
0x46: {  	_ =	shalt  }

// kernel: kernel.9.cloned.1.call-start
scs
__scs_entry_jumppad:
0x0: {  	(pc) =	sbr.rel $0x88, $3  }
0x1: {  	(tag) =	ssettag $0x0;
	lr =	simm.s32 $0x1  }
0x2: {  	[smem:$0x3F99] =	sst lr;
	_ =	strace $0xD0000000  }
0x3: {  	_ = 	snop  }
0x4: {  	_ = 	snop  }
0x5: {  	_ = 	snop  }
0x6: {  	_ = 	snop  }
0x7: {  	_ = 	snop  }
__scs_overlays_trampoline_lowered:
0x8: {  	[smem:$0x3FA8] =	sst s0  }
0x9: {  	[smem:$0x3FA9] =	sst s1  }
0xa: {  	[smem:$0x3FAA] =	sst s2  }
0xb: {  	[smem:$0x3FAB] =	sst s3  }
0xc: {  	[smem:$0x3FAC] =	sst s4  }
0xd: {  	[smem:$0x3FAD] =	sst s5  }
0xe: {  	[smem:$0x3FAE] =	sst s6  }
0xf: {  	[smem:$0x3FAF] =	sst s7  }
0x10: {  	[smem:$0x3FB0] =	sst s8  }
0x11: {  	[smem:$0x3FB1] =	sst s9;
	s0 =	simm.s32 @!p0 $0x0  }
0x12: {  	s1 =	sld [smem:$0x3F97];
	s0 =	simm.s32 @p0 $0x1  }
0x13: {  	[smem:$0x3FB2] =	sst s0;
	s0 =	simm.s32 @!p1 $0x0  }
0x14: {  	s2 =	sld [smem:$0x3F96];
	s0 =	simm.s32 @p1 $0x1  }
0x15: {  	[smem:$0x3FB3] =	sst s0;
	s0 =	simm.s32 @!p2 $0x0  }
0x16: {  	s3 =	sld [smem:$0x3FDB];
	s0 =	simm.s32 @p2 $0x1  }
0x17: {  	s4 =	simm.s32 $0x1BF5;
	[smem:$0x3FB5] =	sst s0  }
0x18: {  	s0 =	sld [smem:$0x3F98];
	_ =	swait.ge [sflag:s4], $0x0  }
0x19: {  	s7 =	sld [smem:$0x3F99]  }
0x1a: {  	s8 =	sadd.s32 $0xFFFFE003, lr  }
0x1b: {  	s9 =	sadd.s32 $0xFFFFFEF7, lr;
	s5 =	simm.s32 $0xFFFFFFFF;
	p2 =	slt.u32 s8, $0xFFFFF086  }
0x1c: {  	p1 =	slt.u32 s9, $0xF7A;
	s5 =	simm.s32 @!p2 $0x0  }
0x1d: {  	s5 =	simm.s32 @p1 $0x1;
	p0 =	seq.s32 s7, s2  }
0x1e: {  	s7 =	smul.u32 @!p0 $0xF7A, s2;
	p2 =	seq.s32 @!p0 s5, $0x0  }
0x1f: {  	s9 =	smul.u32 $0xF7A, s1;
	s8 =	simm.s32 @!p0 $0x1BF5;
	p2 =	por !p2, p0  }
0x20: {  	[sflag:s8] =	ssyncset.s32 @!p0 $0xFFFFF086;
	s6 =	sadd.s32 @!p0 s3, s7;
	s7 =	simm.s32 @!p0 $0x108  }
0x21: {  	s3 =	sadd.s32 s3, s9;
	s6 =	sadd.s32 @!p0 $0x88, s6;
	s7 =	simm.s32 @p2 $0x1082  }
0x22: {  	[simem:s7], [sflag:s8] =	dma.local @!p0 [hbm:s6], $0xF7A  }
0x23: {  	s9 =	sor.u32 $0xD0000000, s2;
	s6 =	simm.s32 $0x108;
	_ =	swait.ge @!p0 [sflag:s8], $0x0  }
0x24: {  	s3 =	sadd.s32 $0x88, s3;
	s6 =	simm.s32 @!p1 $0x1082;
	[sflag:s4] =	ssyncset.s32 $0xFFFFF086  }
0x25: {  	[simem:s6], [sflag:s4] =	dma.local [hbm:s3], $0xF7A  }
0x26: {  	[smem:$0x3F99] =	sst s1;
	(tag) =	ssettag s2;
	_ =	strace s9  }
0x27: {  	s1 =	sld [smem:$0x3FA9]  }
0x28: {  	s2 =	sld [smem:$0x3FAA]  }
0x29: {  	s4 =	sld [smem:$0x3FAC]  }
0x2a: {  	p0 =	seq.s32 s5, $0x0;
	s5 =	sld [smem:$0x3FAD]  }
0x2b: {  	s6 =	sld [smem:$0x3FAE]  }
0x2c: {  	s7 =	sld [smem:$0x3FAF]  }
0x2d: {  	s3 =	simm.s32 $0x108;
	s8 =	sld [smem:$0x3FB0]  }
0x2e: {  	s3 =	simm.s32 @!p0 $0x1082;
	s9 =	sld [smem:$0x3FB1]  }
0x2f: {  	lr =	sadd.s32 s0, s3;
	s0 =	sld [smem:$0x3FA8]  }
0x30: {  	s3 =	sld [smem:$0x3FAB]  }
0x31: {  	[smem:$0x3FB4] =	sst s10  }
0x32: {  	s10 =	sld [smem:$0x3FB2];
	_ =	sdelay $0x3  }
0x33: {  	p0 =	seq.s32 s10, $0x1;
	s10 =	sld [smem:$0x3FB4];
	_ =	sdelay $0x3  }
0x34: {  	[smem:$0x3FB4] =	sst s10  }
0x35: {  	s10 =	sld [smem:$0x3FB3];
	_ =	sdelay $0x3  }
0x36: {  	p1 =	seq.s32 s10, $0x1;
	s10 =	sld [smem:$0x3FB4];
	_ =	sdelay $0x3  }
0x37: {  	[smem:$0x3FB4] =	sst s10  }
0x38: {  	s10 =	sld [smem:$0x3FB5]  }
0x39: {  	_ = 	snop;
	(pc) =	sbr.ind lr, $3  }
0x3a: {  	_ = 	snop  }
0x3b: {  	_ = 	snop  }
0x3c: {  	p2 =	seq.s32 s10, $0x1;
	s10 =	sld [smem:$0x3FB4]  }
0x3d: {  	_ =	shalt  }
0x3e: {  	_ =	shalt  }
0x3f: {  	_ =	shalt  }
0x40: {  	_ =	shalt  }
0x41: {  	_ =	shalt  }
0x42: {  	_ =	shalt  }
0x43: {  	_ =	shalt  }
0x44: {  	_ =	shalt  }
0x45: {  	_ =	shalt  }
0x46: {  	_ =	shalt  }
0x47: {  	_ =	shalt  }
0x48: {  	_ =	shalt  }
0x49: {  	_ =	shalt  }
0x4a: {  	_ =	shalt  }
0x4b: {  	_ =	shalt  }
0x4c: {  	_ =	shalt  }
0x4d: {  	_ =	shalt  }
0x4e: {  	_ =	shalt  }
0x4f: {  	_ =	shalt  }
0x50: {  	_ =	shalt  }
0x51: {  	_ =	shalt  }
0x52: {  	_ =	shalt  }
0x53: {  	_ =	shalt  }
0x54: {  	_ =	shalt  }
0x55: {  	_ =	shalt  }
0x56: {  	_ =	shalt  }
0x57: {  	_ =	shalt  }
0x58: {  	_ =	shalt  }
0x59: {  	_ =	shalt  }
0x5a: {  	_ =	shalt  }
0x5b: {  	_ =	shalt  }
0x5c: {  	_ =	shalt  }
0x5d: {  	_ =	shalt  }
0x5e: {  	_ =	shalt  }
0x5f: {  	_ =	shalt  }
0x60: {  	_ =	shalt  }
0x61: {  	_ =	shalt  }
0x62: {  	_ =	shalt  }
0x63: {  	_ =	shalt  }
0x64: {  	_ =	shalt  }
0x65: {  	_ =	shalt  }
0x66: {  	_ =	shalt  }
0x67: {  	_ =	shalt  }
0x68: {  	_ =	shalt  }
0x69: {  	_ =	shalt  }
0x6a: {  	_ =	shalt  }
0x6b: {  	_ =	shalt  }
0x6c: {  	_ =	shalt  }
0x6d: {  	_ =	shalt  }
0x6e: {  	_ =	shalt  }
0x6f: {  	_ =	shalt  }
0x70: {  	_ =	shalt  }
0x71: {  	_ =	shalt  }
0x72: {  	_ =	shalt  }
0x73: {  	_ =	shalt  }
0x74: {  	_ =	shalt  }
0x75: {  	_ =	shalt  }
0x76: {  	_ =	shalt  }
0x77: {  	_ =	shalt  }
0x78: {  	_ =	shalt  }
0x79: {  	_ =	shalt  }
0x7a: {  	_ =	shalt  }
0x7b: {  	_ =	shalt  }
0x7c: {  	_ =	shalt  }
0x7d: {  	_ =	shalt  }
0x7e: {  	_ =	shalt  }
0x7f: {  	_ =	shalt  }
0x80: {  	_ =	shalt  }
0x81: {  	_ =	shalt  }
0x82: {  	_ =	shalt  }
0x83: {  	_ =	shalt  }
0x84: {  	_ =	shalt  }
0x85: {  	_ =	shalt  }
0x86: {  	_ =	shalt  }
0x87: {  	_ =	shalt  }
.Lfunc_end0:
.L_simem_size_0:
called_computation.1_lowered:
.L_overlay_start_0:
0x88: {  	s2 =	sld [smem:$0x3FD9]  }
0x89: {  	s3 =	sld [smem:$0x3FFE];
	_ =	sdelay $0x1  }
0x8a: {  	s1 =	srdreg.scid  }
0x8b: {  	s0 =	sand.u32 $0x1, s1  }
0x8c: {  	s17 =	sshll.u32 s0, $0xA;
	s2 =	sadd.s32 s3, s2  }
0x8d: {  	s2 =	sadd.s32 s2, s17  }
0x8e: {  	[smem:$0x3FC0] =	sst s2  }
0x8f: {  	_ = 	snop  }
0x90: {  	s18 =	sld [smem:$0x3FC5]  }
0x91: {  	s4 =	sld [smem:$0x3FD0];
	(tm) =	ssettm $0x1  }
0x92: {  	s19 =	sld [smem:$0x3FFB];
	_ =	sdelay $0x3  }
0x93: {  	_ =	strace s19  }
0x94: {  	s2 =	sld [smem:$0x3FFC];
	_ =	sdelay $0x3  }
0x95: {  	_ =	strace s2  }
0x96: {  	s2 =	sld [smem:$0x3FFD];
	_ =	sdelay $0x3  }
0x97: {  	_ =	strace s2  }
0x98: {  	_ =	strace $0x8FFFFFFF  }
0x99: {  	s20 =	sld [smem:$0x3FDB];
	_ =	sdelay $0x1  }
0x9a: {  	s5 =	simm.s32 $_scs_section_size  }
0x9b: {  	s6 =	simm.s32 $_size__tile_overlayer_lowered;
	s7 =	simm.s32 $_tile_overlayer_lowered  }
0x9c: {  	s8 =	simm.s32 $0x1BFF;
	s21 =	sshll.u32 s7, $0x1;
	s5 =	sadd.s32 s5, s20  }
0x9d: {  	s22 =	simm.s32 $0x0;
	s6 =	sshll.u32 s6, $0x1;
	s7 =	sadd.s32 s21, s5  }
0x9e: {  	[timem:s22], [sflag:s8] =	dma.local [hbm:s7], s6  }
0x9f: {  	_ =	swait.ge [sflag:s8], s6  }
0xa0: {  	s6 =	ssub.s32 $0x0, s6;
	[sflag:s8] =	ssyncset.done $0x0  }
0xa1: {  	[sflag:s8] =	ssyncadd.s32 s6;
	_ =	sdelay $0x1  }
0xa2: {  	s23 =	simm.s32 $0x1B8B  }
0xa3: {  	_ =	swait.ge [sflag:s23], $0x1  }
0xa4: {  	[sflag:s23] =	ssyncset.done $0x0  }
0xa5: {  	[sflag:s23] =	ssyncadd.s32 $0xFFFFFFFF  }
0xa6: {  	s6 =	sld [smem:$0x0]  }
0xa7: {  	s7 =	sand.u32 $0xFFFFFFFE, s1  }
0xa8: {  	p0 =	sne.s32 s1, s7  }
0xa9: {  	s7 =	sshll.u32 @p0 s7, $0xE  }
0xaa: {  	s7 =	sadd.s32 @p0 $0x11B8D, s7;
	s8 =	sshll.u32 @p0 s6, $0x11  }
0xab: {  	s7 =	sor.u32 @p0 s8, s7  }
0xac: {  	[sflag:s7] =	ssyncadd.remote.s32 @p0 $0x1;
	_ =	sdelay $0x1  }
0xad: {  	s7 =	simm.s32 @p0 $0x1B8D  }
0xae: {  	_ =	swait.eq @p0 [sflag:s7], $0x1  }
0xaf: {  	[sflag:s7] =	ssyncadd.s32 @p0 $0xFFFFFFFF  }
0xb0: {  	s8 =	sshll.u32 @!p0 s1, $0xE  }
0xb1: {  	s8 =	sor.u32 @!p0 $0x4000, s8;
	s7 =	simm.s32 @!p0 $0x1B8D  }
0xb2: {  	s6 =	sshll.u32 @!p0 s6, $0x11;
	s8 =	sadd.s32 @!p0 $0x11B8D, s8;
	_ =	swait.eq @!p0 [sflag:s7], $0x1  }
0xb3: {  	s6 =	sor.u32 @!p0 s6, s8;
	[sflag:s7] =	ssyncadd.s32 @!p0 $0xFFFFFFFF  }
0xb4: {  	s25 =	simm.s32 $0x1B8E;
	s24 =	sld [smem:$0x3FFE];
	[sflag:s6] =	ssyncadd.remote.s32 @!p0 $0x1  }
0xb5: {  	s26 =	simm.s32 $execute0_lowered;
	[smem:$0x3FD2] =	sst s25  }
0xb6: {  	s7 =	sshll.u32 s26, $0x1;
	_ =	strace $0x80000049;
	[dreg:$0x1] =	wrdreg $0xFFFFFFFF  }
0xb7: {  	s28 =	simm.s32 $_size_execute0_lowered;
	s5 =	sadd.s32 s5, s7;
	[dreg:$0x0] =	wrdreg $0x0  }
0xb8: {  	s7 =	sshll.u32 s28, $0x1;
	[dreg:$0x2] =	wrdreg s5  }
0xb9: {  	[dreg:$0x3] =	wrdreg s7  }
0xba: {  	[dreg:$0x4] =	wrdreg $0xC0  }
0xbb: {  	_ =	task [dreg:s22], $0x5FFFF  }
0xbc: {  	[dreg:$0x1] =	wrdreg $0xFFFFFFFF  }
0xbd: {  	[dreg:$0x0] =	wrdreg $0x60  }
0xbe: {  	[dreg:$0x2] =	wrdreg s18  }
0xbf: {  	[dreg:$0x3] =	wrdreg s4  }
0xc0: {  	[dreg:$0x4] =	wrdreg s24  }
0xc1: {  	[dreg:$0x5] =	wrdreg $0xA  }
0xc2: {  	_ =	task.clear_ibuf [dreg:s22], $0x6FFFF;
	_ =	strace $0x90000049  }
0xc3: {  	s29 =	simm.s32 $0xA;
	_ =	strace $0x8000004B  }
0xc4: {  	_ =	swait.ge [sflag:s29], $0x1  }
0xc5: {  	[sflag:s29] =	ssyncadd.s32 $0xFFFFFFFF  }
0xc6: {  	_ =	strace $0x9000004B  }
0xc7: {  	_ =	sfence  }
0xc8: {  	s30 =	sld [smem:$0x0];
	_ =	sdelay $0x2  }
0xc9: {  	s31 =	sshll.u32 s1, $0xD;
	s1 =	sshrl.u32 s1, $0x2  }
0xca: {  	s4 =	sand.u32 $0x4000, s31;
	s1 =	sadd.s32 s1, s30  }
0xcb: {  	s0 =	sor.u32 s4, s0;
	s1 =	sshll.u32 s1, $0x11  }
0xcc: {  	s0 =	sor.u32 s1, s0  }
0xcd: {  	s0 =	sadd.s32 $0x8F2B, s0  }
0xce: {  	[sflag:s0] =	ssyncadd.remote.s32 $0x1  }
0xcf: {  	_ =	sfence.sel $0xFFFF  }
0xd0: {  	[dreg:$0x0] =	wrdreg $0xFFFFFFFF;
	(pc) =	sbr.abs _section_cstart, $3  }
0xd1: {  	[dreg:$0x1] =	wrdreg $0xFFFFFFFF  }
0xd2: {  	_ =	task.clear_ibuf [dreg:s22], $0x2FFFF;
	_ =	strace $0x9FFFFFFF  }
0xd3: {  	(tm) =	ssettm $0x7FFFFFFF  }
tec
execute0_lowered:
.L_overlay_start_1:
0x0: {  	(tag) =	ssettag $0x1  }
0x1: {  	s1 =	rddreg [dreg:$0x0]  }
0x2: {  	s4 =	rddreg [dreg:$0x1]  }
0x3: {  	s5 =	rddreg [dreg:$0x2]  }
0x4: {  	s0 =	rddreg [dreg:$0x3]  }
0x5: {  	s6 =	srdreg.scid;
	s2 =	stileid.u32;
	s3 =	simm.s32 $0x0  }
0x6: {  	s13 =	simm.s32 $0x9000;
	s14 =	simm.s32 $0x180;
	s15 =	simm.s32 $0xD000  }
0x7: {  	s16 =	simm.s32 $0x1;
	s17 =	simm.s32 $0x2;
	s18 =	simm.s32 $0x0  }
0x8: {  	s6 =	sand.u32 $0x1, s6;
	s7 =	sshll.u32 s2, $0x1;
	[smem:$0x7FF] =	sst s3  }
0x9: {  	s9 =	sadd.s32 $0x195000, s5;
	s10 =	smul.u32 $0x19000, s2;
	s7 =	sor.u32 s6, s7  }
0xa: {  	_ =	strace $0x8000004A;
	s30 =	ssub.s32 $0x2, s6;
	s12 =	smul.u32 $0xC800, s6  }
0xb: {  	s8 =	smul.u32 $0xC800, s7;
	s11 =	sshrl.u32 s30, $0x1;
	s7 =	sshll.u32 s7, $0x9  }
0xc: {  	s31 =	sadd.s32 s10, s9;
	s10 =	simm.s32 $0x1000;
	s5 =	ssub.s32 s30, s11  }
0xd: {  	s4 =	sadd.s32 s4, s7;
	s7 =	sadd.s32 s12, s31;
	s11 =	simm.s32 $0x5000  }
0xe: {  	s12 =	simm.s32 $0x100;
	s5 =	smax.u32 s5, $0x1;
	s6 =	sadd.s32 s9, s8  }
0xf: {  	s7 =	sadd.s32 $0x800, s7;
	s8 =	simm.s32 $0x3;
	s9 =	simm.s32 $0x80  }
.LBB2_1:
0x10: {  	[tilespmem:s3], [sflag:$0x3] =	stream.linear.gather [hbm4b:s4+s3], $0x1000, $0x38;
	[tilespmem:$0x11000] =	vst v63  }
0x11: {  	_ =	swait.ge [sflag:s8], $0x1000  }
0x12: {  	[sflag:s8] =	ssyncset.done $0x0  }
0x13: {  	[sflag:s8] =	ssyncadd.s32 $0xFFFFF000  }
0x14: {  	[tilespmem:s10], [sflag:$0x1] =	stream.indirect.gather [hbm4b:s1+s9], $0x80, s3, s9, $0xb8;
	[tilespmem:$0x11000] =	vst v63  }
0x15: {  	_ = 	snop  }
0x16: {  	[tilespmem:s11], [sflag:$0x1] =	stream.indirect.gather [hbm4b:s1+s9], $0x80, s9, s9, $0xb8;
	[tilespmem:$0x11000] =	vst v63  }
0x17: {  	_ = 	snop  }
0x18: {  	[tilespmem:s13], [sflag:$0x1] =	stream.indirect.gather [hbm4b:s1+s9], $0x80, s12, s9, $0xb8;
	[tilespmem:$0x11000] =	vst v63  }
0x19: {  	_ =	swait.ge [sflag:s16], $0x4000  }
0x1a: {  	[sflag:s16] =	ssyncset.done $0x0  }
0x1b: {  	[sflag:s16] =	ssyncadd.s32 $0xFFFFC000  }
0x1c: {  	[hbm4b:s6+s3] =	stream.linear.scatter [tilespmem:s10], [sflag:$0x2], $0x4000, $0x38;
	[tilespmem:$0x11000] =	vst v63  }
0x1d: {  	s23 =	simm.s32 $0x10000  }
0x1e: {  	[tilespmem:s15], [sflag:$0x1] =	stream.indirect.gather [hbm4b:s1+s9], $0x80, s14, s9, $0xb8;
	[tilespmem:$0x11000] =	vst v63  }
0x1f: {  	s19 =	simm.s32 $0x200;
	s21 =	simm.s32 $0x4000;
	_ =	swait.ge [sflag:s16], $0x4000  }
0x20: {  	s20 =	simm.s32 $0x2;
	s22 =	sand.u32 $0xC000, s21;
	[sflag:s16] =	ssyncset.done $0x0  }
0x21: {  	p0 =	por $0x0, $0x0;
	s22 =	sor.u32 $0x1000, s22;
	[sflag:s16] =	ssyncadd.s32 $0xFFFFC000  }
0x22: {  	[hbm4b:s7+s3] =	stream.linear.scatter [tilespmem:s22], [sflag:$0x2], $0x4000, $0x38;
	[tilespmem:$0x11000] =	vst v63  }
0x23: {  	s21 =	sadd.s32 $0x800, s7;
	s24 =	sand.u32 @!p0 $0xC000, s23;
	_ =	swait.ge [sflag:s17], $0x4000  }
0x24: {  	s23 =	simm.s32 $0x14000;
	s25 =	simm.s32 @!p0 $0x80;
	[sflag:s17] =	ssyncset.done $0x0  }
0x25: {  	s24 =	sor.u32 @!p0 $0x1000, s24;
	s22 =	simm.s32 $0x280;
	[sflag:s17] =	ssyncadd.s32 $0xFFFFC000  }
.LBB2_2:
0x26: {  	[tilespmem:s24], [sflag:$0x1] =	stream.indirect.gather @!p0 [hbm4b:s1+s25], $0x80, s19, s25, $0xb8;
	[tilespmem:$0x11000] =	vst v63  }
0x27: {  	s24 =	smov.u32 s20;
	s25 =	smov.u32 s21;
	s19 =	smov.u32 s22  }
0x28: {  	s20 =	sadd.s32 $0x1, s20  }
0x29: {  	s26 =	sadd.s32 $0xFFFF4000, s23;
	p1 =	sne.s32 s20, $0x19;
	_ =	swait.ge [sflag:s16], $0x4000  }
0x2a: {  	s21 =	sadd.s32 $0x800, s21;
	s26 =	sand.u32 $0xC000, s26;
	[sflag:s16] =	ssyncset.done $0x0  }
.Ltmp0:
0x2b: {  	s26 =	sor.u32 $0x1000, s26;
	[sflag:s16] =	ssyncadd.s32 $0xFFFFC000;
	(pc) =	sbr.rel @p1 .LBB2_2-.Ltmp0, $4  }
0x2c: {  	[hbm4b:s25+s3] =	stream.linear.scatter [tilespmem:s26], [sflag:$0x2], $0x4000, $0x38;
	[tilespmem:$0x11000] =	vst v63  }
0x2d: {  	s22 =	sadd.s32 $0x80, s22;
	p0 =	sgt.u32 s24, $0x15;
	_ =	swait.ge [sflag:s17], $0x4000  }
0x2e: {  	s24 =	sand.u32 @!p0 $0xC000, s23;
	s23 =	sadd.s32 $0x4000, s23;
	[sflag:s17] =	ssyncset.done $0x0  }
0x2f: {  	s24 =	sor.u32 @!p0 $0x1000, s24;
	s25 =	simm.s32 @!p0 $0x80;
	[sflag:s17] =	ssyncadd.s32 $0xFFFFC000  }
0x30: {  	[tilespmem:s24], [sflag:$0x1] =	stream.indirect.gather @!p0 [hbm4b:s1+s25], $0x80, s19, s25, $0xb8;
	[tilespmem:$0x11000] =	vst v63  }
0x31: {  	s18 =	sadd.s32 $0x1, s18  }
0x32: {  	p0 =	sne.s32 s18, s5  }
.Ltmp1:
0x33: {  	_ = 	snop;
	(pc) =	sbr.rel @p0 .LBB2_1-.Ltmp1, $4  }
0x34: {  	_ = 	snop  }
0x35: {  	_ =	swait.ge [sflag:s17], $0x4000  }
0x36: {  	[sflag:s17] =	ssyncset.done $0x0  }
0x37: {  	[sflag:s17] =	ssyncadd.s32 $0xFFFFC000  }
0x38: {  	_ =	sfence.sel $0x180000  }
0x39: {  	[bflag:$0x0] =	sbarrier.arrive $0xFFFF  }
0x3a: {  	p0 =	sne.s32 s2, $0x0;
	_ =	strace $0x9000004A  }
0x3b: {  	s0 =	sadd.s32 @!p0 $0x100000, s0;
	[bflag:$0x2] =	sbarrier.arrive $0xFFFF  }
0x3c: {  	[sflag:s0] =	ssyncadd.tile.s32 @!p0 $0x1;
	_ =	shalt  }
.Lfunc_end2:
_tile_overlayer_lowered:
.L_overlay_start_2:
0x3d: {  	(tag) =	ssettag $0x2  }
0x3e: {  	s0 =	rddreg [dreg:$0x0];
	s2 =	stileid.u32  }
0x3f: {  	s1 =	rddreg [dreg:$0x1];
	p0 =	sne.s32 s2, $0x0  }
0x40: {  	s3 =	rddreg [dreg:$0x2];
	[bflag:$0x3] =	sbarrier.arrive $0xFFFF;
	s2 =	simm.s32 @!p0 $0x1C03  }
0x41: {  	[timem:s3], [sflag:s2] =	dma.local @!p0 [hbm:s0], s1  }
0x42: {  	s0 =	simm.s32 @!p0 $0x3  }
0x43: {  	_ =	swait.ge @!p0 [sflag:s0], s1  }
0x44: {  	s1 =	ssub.s32 @!p0 $0x0, s1;
	[sflag:s0] =	ssyncset.done @!p0 $0x0  }
0x45: {  	[sflag:s0] =	ssyncadd.s32 @!p0 s1  }
0x46: {  	[bflag:$0x3] =	sbarrier.arrive $0xFFFF  }
0x47: {  	_ =	shalt  }

</sc_bundles>
